<compile_context>
chip_gen: v7x
topology: tpu7x:2x2x1
jax: 0.10.2.dev20260603
libtpu: 0.0.44.dev20260713+nightly
codegen_flags: <defaults>
</compile_context>

<pallas_src>
import functools

import jax
import jax.numpy as jnp
from jax import lax
from jax.experimental import pallas as pl
from jax.experimental.pallas import tpu as pltpu
from jax.experimental.pallas import tpu_sc as plsc


def kernel(group_scores, gid2verb):
    B, G = group_scores.shape
    (V,) = gid2verb.shape

    NW = 32
    JW = 3128
    C = 24
    NCH = JW // C
    TAIL = JW - NCH * C
    LAST = NCH
    NB = 4

    mesh = plsc.VectorSubcoreMesh(core_axis_name="c", subcore_axis_name="s")

    @functools.partial(
        pl.kernel,
        mesh=mesh,
        out_type=jax.ShapeDtypeStruct((V, B), jnp.float32),
        compiler_params=pltpu.CompilerParams(needs_layout_passes=False),
        scratch_types=[
            pltpu.VMEM((JW,), jnp.int32),
            pltpu.VMEM((C, B), jnp.float32),
            pltpu.VMEM((C, B), jnp.float32),
            pltpu.VMEM((C, B), jnp.float32),
            pltpu.VMEM((C, B), jnp.float32),
            pltpu.SemaphoreType.DMA,
            pltpu.SemaphoreType.DMA,
            pltpu.SemaphoreType.DMA,
            pltpu.SemaphoreType.DMA,
            pltpu.SemaphoreType.DMA,
            pltpu.SemaphoreType.DMA,
            pltpu.SemaphoreType.DMA,
            pltpu.SemaphoreType.DMA,
        ],
    )
    def gather_kernel(
        tab_hbm, idx_hbm, out_hbm, idx_v,
        rows0, rows1, rows2, rows3,
        sg0, sg1, sg2, sg3, sw0, sw1, sw2, sw3,
    ):
        rows = (rows0, rows1, rows2, rows3)
        sem_g = (sg0, sg1, sg2, sg3)
        sem_w = (sw0, sw1, sw2, sw3)
        wid = lax.axis_index("s") * 2 + lax.axis_index("c")
        j0 = jnp.where(wid == NW - 1, V - JW, wid * JW)
        pltpu.sync_copy(idx_hbm.at[pl.ds(j0, JW)], idx_v)

        def g_copy(ci, b, width):
            return pltpu.make_async_copy(
                tab_hbm.at[idx_v.at[pl.ds(ci * C, width)]],
                rows[b].at[pl.ds(0, width)],
                sem_g[b],
            )

        def w_copy(ci, b, width):
            return pltpu.make_async_copy(
                rows[b].at[pl.ds(0, width)],
                out_hbm.at[pl.ds(j0 + ci * C, width)],
                sem_w[b],
            )

        def step(ci, b, width=C, pre_w=None, pre_g=None, pre_gw=C):
            g_copy(ci, b, width).wait()
            w_copy(ci, b, width).start()
            nb = (b + 2) % NB
            if pre_w is not None:
                w_copy(pre_w, nb, C).wait()
            if pre_g is not None:
                g_copy(pre_g, nb, pre_gw).start()

        g_copy(0, 0, C).start()
        g_copy(1, 1, C).start()
        step(0, 0, pre_g=2)
        step(1, 1, pre_g=3)
        step(2, 2, pre_w=0, pre_g=4)
        step(3, 3, pre_w=1, pre_g=5)

        def quad_body(h, carry):
            ci = h * 4
            for u in range(4):
                step(ci + u, u, pre_w=ci + u - 2, pre_g=ci + u + 2)
            return carry

        lax.fori_loop(1, NCH // 4, quad_body, 0)

        step(NCH - 2, 0, pre_w=NCH - 4, pre_g=LAST, pre_gw=TAIL)
        step(NCH - 1, 1)
        step(LAST, 2, width=TAIL)
        w_copy(NCH - 3, 3, C).wait()
        w_copy(NCH - 2, 0, C).wait()
        w_copy(NCH - 1, 1, C).wait()
        w_copy(LAST, 2, TAIL).wait()

    out_t = gather_kernel(group_scores.T, gid2verb)
    return out_t.T

# --- scband reference (transcript-rebuilt; emitter-appended) ---
"""Pipeline reference for scband-scatter-cluster-to-hois-13683765805625 (READ-ONLY COPY).

The authoritative reference and input builder live on the scoring server;
editing this copy changes nothing except your own understanding.
"""

import jax, jax.numpy as jnp
import numpy as np


def setup_inputs(seed: int = 0) -> dict:
    key = jax.random.key(seed)
    k1, k2 = jax.random.split(key)
    # group_scores: [batch, n_groups] dense cluster/group scores
    group_scores = jax.random.normal(k1, (1024, 1000), dtype=jnp.float32)
    # gid2verb: mapping from each verb/hoi position to its group id (loaded from
    # the json_file in the original torch module; materialized here as an index array)
    gid2verb = jax.random.randint(k2, (100000,), 0, 1000, dtype=jnp.int32)
    return {"group_scores": group_scores, "gid2verb": gid2verb}


def reference(group_scores, gid2verb):
    # Faithful translation of: verb_scores = group_scores[:, self.gid2verb]
    # i.e., a column gather along axis 1, broadcasting scores from groups to verbs.
    verb_scores = jnp.take(group_scores, gid2verb, axis=1)
    return verb_scores

if __name__ == "__main__":
    import jax
    _d = setup_inputs()
    print(jax.jit(kernel)(*tuple(_d.values())))

</pallas_src>

<mosaic_0001>
#map = affine_map<(d0, d1) -> (0, 0)>
#map1 = affine_map<(d0, d1) -> (0)>
module attributes {stable_mosaic.version = 14 : i64} {
  func.func @gather_kernel(%arg0: i32, %arg1: i32, %arg2: memref<1000x1024xf32, #tpu.memory_space<hbm>>, %arg3: memref<100000xi32, #tpu.memory_space<hbm>>, %arg4: memref<100000x1024xf32, #tpu.memory_space<hbm>>, %arg5: memref<3128xi32, #tpu.memory_space<vmem>>, %arg6: memref<24x1024xf32, #tpu.memory_space<vmem>>, %arg7: memref<24x1024xf32, #tpu.memory_space<vmem>>, %arg8: memref<24x1024xf32, #tpu.memory_space<vmem>>, %arg9: memref<24x1024xf32, #tpu.memory_space<vmem>>, %arg10: memref<!tpu.dma_semaphore, #tpu.memory_space<semaphore_mem>>, %arg11: memref<!tpu.dma_semaphore, #tpu.memory_space<semaphore_mem>>, %arg12: memref<!tpu.dma_semaphore, #tpu.memory_space<semaphore_mem>>, %arg13: memref<!tpu.dma_semaphore, #tpu.memory_space<semaphore_mem>>, %arg14: memref<!tpu.dma_semaphore, #tpu.memory_space<semaphore_mem>>, %arg15: memref<!tpu.dma_semaphore, #tpu.memory_space<semaphore_mem>>, %arg16: memref<!tpu.dma_semaphore, #tpu.memory_space<semaphore_mem>>, %arg17: memref<!tpu.dma_semaphore, #tpu.memory_space<semaphore_mem>>) attributes {dimension_semantics = [#tpu.dimension_semantics<core_parallel>, #tpu.dimension_semantics<subcore_parallel>], iteration_bounds = array<i64: 2, 16>, scalar_prefetch = 0 : i64, scratch_operands = 13 : i64, tpu.core_type = #tpu.core_type<sc_vector_subcore>, window_params = [{transform_indices = #map}, {transform_indices = #map1}, {transform_indices = #map}]} {
    %mul3A = arith.constant 2 : i32
    %mul3A_0 = arith.muli %arg1, %mul3A : i32
    %add3A = arith.addi %mul3A_0, %arg0 : i32
    %eq3A = arith.constant 31 : i32
    %eq3A_1 = arith.cmpi eq, %add3A, %eq3A : i32
    %mul3A_2 = arith.constant 3128 : i32
    %mul3A_3 = arith.muli %add3A, %mul3A_2 : i32
    %jit3A = arith.constant 96872 : i32
    %select_n3A = arith.select %eq3A_1, %jit3A, %mul3A_3 : i32
    "tpu.region"() ({
      %run_scoped3A = tpu.sem_alloc : memref<!tpu.dma_semaphore, #tpu.memory_space<semaphore_mem>>
      %dma_start3A_287 = tpu.memref_slice %arg3[%select_n3A] : memref<100000xi32, #tpu.memory_space<hbm>> -> memref<3128xi32, #tpu.memory_space<hbm>>
      %dma_start3A_288 = tpu.memref_slice %arg3[%select_n3A] : memref<100000xi32, #tpu.memory_space<hbm>> -> memref<3128xi32, #tpu.memory_space<hbm>>
      tpu.enqueue_dma source(%dma_start3A_288 : memref<3128xi32, #tpu.memory_space<hbm>>) target(%arg5 : memref<3128xi32, #tpu.memory_space<vmem>>) target_semaphore(%run_scoped3A : memref<!tpu.dma_semaphore, #tpu.memory_space<semaphore_mem>>)
      %dma_wait3A_289 = tpu.memref_slice %arg3[%select_n3A] : memref<100000xi32, #tpu.memory_space<hbm>> -> memref<3128xi32, #tpu.memory_space<hbm>>
      %dma_wait3A_290 = tpu.memref_slice %arg3[%select_n3A] : memref<100000xi32, #tpu.memory_space<hbm>> -> memref<3128xi32, #tpu.memory_space<hbm>>
      tpu.wait_dma2 semaphore(%run_scoped3A : memref<!tpu.dma_semaphore, #tpu.memory_space<semaphore_mem>>) src(%dma_wait3A_290 : memref<3128xi32, #tpu.memory_space<hbm>>) dst(%arg5 : memref<3128xi32, #tpu.memory_space<vmem>>)
      tpu.yield
    }) : () -> ()
    %dma_start3A = arith.constant 0 : i32
    %dma_start3A_4 = arith.constant 0 : i32
    %dma_start3A_5 = tpu.memref_slice %arg6[%dma_start3A, %dma_start3A_4] : memref<24x1024xf32, #tpu.memory_space<vmem>> -> memref<24x1024xf32, #tpu.memory_space<vmem>>
    %dma_start3A_6 = arith.constant 0 : i32
    %dma_start3A_7 = tpu.memref_slice %arg5[%dma_start3A_6] : memref<3128xi32, #tpu.memory_space<vmem>> -> memref<24xi32, #tpu.memory_space<vmem>>
    %dma_start3A_8 = arith.constant 0 : i32
    %dma_start3A_9 = arith.constant 0 : i32
    %dma_start3A_10 = tpu.memref_slice %arg2[%dma_start3A_8, %dma_start3A_9] : memref<1000x1024xf32, #tpu.memory_space<hbm>> -> memref<1000x1024xf32, #tpu.memory_space<hbm>>
    tpu.enqueue_indirect_dma source(%dma_start3A_10 : memref<1000x1024xf32, #tpu.memory_space<hbm>>) target(%dma_start3A_5 : memref<24x1024xf32, #tpu.memory_space<vmem>>) offsets(%dma_start3A_7 : memref<24xi32, #tpu.memory_space<vmem>>) semaphore(%arg10 : memref<!tpu.dma_semaphore, #tpu.memory_space<semaphore_mem>>)
    %dma_start3A_11 = arith.constant 0 : i32
    %dma_start3A_12 = arith.constant 0 : i32
    %dma_start3A_13 = tpu.memref_slice %arg7[%dma_start3A_11, %dma_start3A_12] : memref<24x1024xf32, #tpu.memory_space<vmem>> -> memref<24x1024xf32, #tpu.memory_space<vmem>>
    %dma_start3A_14 = arith.constant 24 : i32
    %dma_start3A_15 = tpu.memref_slice %arg5[%dma_start3A_14] : memref<3128xi32, #tpu.memory_space<vmem>> -> memref<24xi32, #tpu.memory_space<vmem>>
    %dma_start3A_16 = arith.constant 0 : i32
    %dma_start3A_17 = arith.constant 0 : i32
    %dma_start3A_18 = tpu.memref_slice %arg2[%dma_start3A_16, %dma_start3A_17] : memref<1000x1024xf32, #tpu.memory_space<hbm>> -> memref<1000x1024xf32, #tpu.memory_space<hbm>>
    tpu.enqueue_indirect_dma source(%dma_start3A_18 : memref<1000x1024xf32, #tpu.memory_space<hbm>>) target(%dma_start3A_13 : memref<24x1024xf32, #tpu.memory_space<vmem>>) offsets(%dma_start3A_15 : memref<24xi32, #tpu.memory_space<vmem>>) semaphore(%arg11 : memref<!tpu.dma_semaphore, #tpu.memory_space<semaphore_mem>>)
    %dma_wait3A = arith.constant 0 : i32
    %dma_wait3A_19 = arith.constant 0 : i32
    %dma_wait3A_20 = tpu.memref_slice %arg6[%dma_wait3A, %dma_wait3A_19] : memref<24x1024xf32, #tpu.memory_space<vmem>> -> memref<24x1024xf32, #tpu.memory_space<vmem>>
    %dma_wait3A_21 = arith.constant 0 : i32
    %dma_wait3A_22 = tpu.memref_slice %arg5[%dma_wait3A_21] : memref<3128xi32, #tpu.memory_space<vmem>> -> memref<24xi32, #tpu.memory_space<vmem>>
    %dma_wait3A_23 = arith.constant 0 : i32
    %dma_wait3A_24 = arith.constant 0 : i32
    %dma_wait3A_25 = tpu.memref_slice %arg2[%dma_wait3A_23, %dma_wait3A_24] : memref<1000x1024xf32, #tpu.memory_space<hbm>> -> memref<1000x1024xf32, #tpu.memory_space<hbm>>
    tpu.wait_indirect_dma semaphore(%arg10 : memref<!tpu.dma_semaphore, #tpu.memory_space<semaphore_mem>>) src(%dma_wait3A_25 : memref<1000x1024xf32, #tpu.memory_space<hbm>>) dst(%dma_wait3A_20 : memref<24x1024xf32, #tpu.memory_space<vmem>>)
    %add3A_26 = arith.constant 0 : i32
    %add3A_27 = arith.addi %select_n3A, %add3A_26 : i32
    %dma_start3A_28 = arith.constant 0 : i32
    %dma_start3A_29 = arith.constant 0 : i32
    %dma_start3A_30 = tpu.memref_slice %arg6[%dma_start3A_28, %dma_start3A_29] : memref<24x1024xf32, #tpu.memory_space<vmem>> -> memref<24x1024xf32, #tpu.memory_space<vmem>>
    %dma_start3A_31 = arith.constant 0 : i32
    %dma_start3A_32 = tpu.memref_slice %arg4[%add3A_27, %dma_start3A_31] : memref<100000x1024xf32, #tpu.memory_space<hbm>> -> memref<24x1024xf32, #tpu.memory_space<hbm>>
    %dma_start3A_33 = arith.constant 0 : i32
    %dma_start3A_34 = tpu.memref_slice %arg4[%add3A_27, %dma_start3A_33] : memref<100000x1024xf32, #tpu.memory_space<hbm>> -> memref<24x1024xf32, #tpu.memory_space<hbm>>
    %dma_start3A_35 = arith.constant 0 : i32
    %dma_start3A_36 = arith.constant 0 : i32
    %dma_start3A_37 = tpu.memref_slice %arg6[%dma_start3A_35, %dma_start3A_36] : memref<24x1024xf32, #tpu.memory_space<vmem>> -> memref<24x1024xf32, #tpu.memory_space<vmem>>
    tpu.enqueue_dma source(%dma_start3A_37 : memref<24x1024xf32, #tpu.memory_space<vmem>>) target(%dma_start3A_34 : memref<24x1024xf32, #tpu.memory_space<hbm>>) target_semaphore(%arg14 : memref<!tpu.dma_semaphore, #tpu.memory_space<semaphore_mem>>)
    %dma_start3A_38 = arith.constant 0 : i32
    %dma_start3A_39 = arith.constant 0 : i32
    %dma_start3A_40 = tpu.memref_slice %arg8[%dma_start3A_38, %dma_start3A_39] : memref<24x1024xf32, #tpu.memory_space<vmem>> -> memref<24x1024xf32, #tpu.memory_space<vmem>>
    %dma_start3A_41 = arith.constant 48 : i32
    %dma_start3A_42 = tpu.memref_slice %arg5[%dma_start3A_41] : memref<3128xi32, #tpu.memory_space<vmem>> -> memref<24xi32, #tpu.memory_space<vmem>>
    %dma_start3A_43 = arith.constant 0 : i32
    %dma_start3A_44 = arith.constant 0 : i32
    %dma_start3A_45 = tpu.memref_slice %arg2[%dma_start3A_43, %dma_start3A_44] : memref<1000x1024xf32, #tpu.memory_space<hbm>> -> memref<1000x1024xf32, #tpu.memory_space<hbm>>
    tpu.enqueue_indirect_dma source(%dma_start3A_45 : memref<1000x1024xf32, #tpu.memory_space<hbm>>) target(%dma_start3A_40 : memref<24x1024xf32, #tpu.memory_space<vmem>>) offsets(%dma_start3A_42 : memref<24xi32, #tpu.memory_space<vmem>>) semaphore(%arg12 : memref<!tpu.dma_semaphore, #tpu.memory_space<semaphore_mem>>)
    %dma_wait3A_46 = arith.constant 0 : i32
    %dma_wait3A_47 = arith.constant 0 : i32
    %dma_wait3A_48 = tpu.memref_slice %arg7[%dma_wait3A_46, %dma_wait3A_47] : memref<24x1024xf32, #tpu.memory_space<vmem>> -> memref<24x1024xf32, #tpu.memory_space<vmem>>
    %dma_wait3A_49 = arith.constant 24 : i32
    %dma_wait3A_50 = tpu.memref_slice %arg5[%dma_wait3A_49] : memref<3128xi32, #tpu.memory_space<vmem>> -> memref<24xi32, #tpu.memory_space<vmem>>
    %dma_wait3A_51 = arith.constant 0 : i32
    %dma_wait3A_52 = arith.constant 0 : i32
    %dma_wait3A_53 = tpu.memref_slice %arg2[%dma_wait3A_51, %dma_wait3A_52] : memref<1000x1024xf32, #tpu.memory_space<hbm>> -> memref<1000x1024xf32, #tpu.memory_space<hbm>>
    tpu.wait_indirect_dma semaphore(%arg11 : memref<!tpu.dma_semaphore, #tpu.memory_space<semaphore_mem>>) src(%dma_wait3A_53 : memref<1000x1024xf32, #tpu.memory_space<hbm>>) dst(%dma_wait3A_48 : memref<24x1024xf32, #tpu.memory_space<vmem>>)
    %add3A_54 = arith.constant 24 : i32
    %add3A_55 = arith.addi %select_n3A, %add3A_54 : i32
    %dma_start3A_56 = arith.constant 0 : i32
    %dma_start3A_57 = arith.constant 0 : i32
    %dma_start3A_58 = tpu.memref_slice %arg7[%dma_start3A_56, %dma_start3A_57] : memref<24x1024xf32, #tpu.memory_space<vmem>> -> memref<24x1024xf32, #tpu.memory_space<vmem>>
    %dma_start3A_59 = arith.constant 0 : i32
    %dma_start3A_60 = tpu.memref_slice %arg4[%add3A_55, %dma_start3A_59] : memref<100000x1024xf32, #tpu.memory_space<hbm>> -> memref<24x1024xf32, #tpu.memory_space<hbm>>
    %dma_start3A_61 = arith.constant 0 : i32
    %dma_start3A_62 = tpu.memref_slice %arg4[%add3A_55, %dma_start3A_61] : memref<100000x1024xf32, #tpu.memory_space<hbm>> -> memref<24x1024xf32, #tpu.memory_space<hbm>>
    %dma_start3A_63 = arith.constant 0 : i32
    %dma_start3A_64 = arith.constant 0 : i32
    %dma_start3A_65 = tpu.memref_slice %arg7[%dma_start3A_63, %dma_start3A_64] : memref<24x1024xf32, #tpu.memory_space<vmem>> -> memref<24x1024xf32, #tpu.memory_space<vmem>>
    tpu.enqueue_dma source(%dma_start3A_65 : memref<24x1024xf32, #tpu.memory_space<vmem>>) target(%dma_start3A_62 : memref<24x1024xf32, #tpu.memory_space<hbm>>) target_semaphore(%arg15 : memref<!tpu.dma_semaphore, #tpu.memory_space<semaphore_mem>>)
    %dma_start3A_66 = arith.constant 0 : i32
    %dma_start3A_67 = arith.constant 0 : i32
    %dma_start3A_68 = tpu.memref_slice %arg9[%dma_start3A_66, %dma_start3A_67] : memref<24x1024xf32, #tpu.memory_space<vmem>> -> memref<24x1024xf32, #tpu.memory_space<vmem>>
    %dma_start3A_69 = arith.constant 72 : i32
    %dma_start3A_70 = tpu.memref_slice %arg5[%dma_start3A_69] : memref<3128xi32, #tpu.memory_space<vmem>> -> memref<24xi32, #tpu.memory_space<vmem>>
    %dma_start3A_71 = arith.constant 0 : i32
    %dma_start3A_72 = arith.constant 0 : i32
    %dma_start3A_73 = tpu.memref_slice %arg2[%dma_start3A_71, %dma_start3A_72] : memref<1000x1024xf32, #tpu.memory_space<hbm>> -> memref<1000x1024xf32, #tpu.memory_space<hbm>>
    tpu.enqueue_indirect_dma source(%dma_start3A_73 : memref<1000x1024xf32, #tpu.memory_space<hbm>>) target(%dma_start3A_68 : memref<24x1024xf32, #tpu.memory_space<vmem>>) offsets(%dma_start3A_70 : memref<24xi32, #tpu.memory_space<vmem>>) semaphore(%arg13 : memref<!tpu.dma_semaphore, #tpu.memory_space<semaphore_mem>>)
    %dma_wait3A_74 = arith.constant 0 : i32
    %dma_wait3A_75 = arith.constant 0 : i32
    %dma_wait3A_76 = tpu.memref_slice %arg8[%dma_wait3A_74, %dma_wait3A_75] : memref<24x1024xf32, #tpu.memory_space<vmem>> -> memref<24x1024xf32, #tpu.memory_space<vmem>>
    %dma_wait3A_77 = arith.constant 48 : i32
    %dma_wait3A_78 = tpu.memref_slice %arg5[%dma_wait3A_77] : memref<3128xi32, #tpu.memory_space<vmem>> -> memref<24xi32, #tpu.memory_space<vmem>>
    %dma_wait3A_79 = arith.constant 0 : i32
    %dma_wait3A_80 = arith.constant 0 : i32
    %dma_wait3A_81 = tpu.memref_slice %arg2[%dma_wait3A_79, %dma_wait3A_80] : memref<1000x1024xf32, #tpu.memory_space<hbm>> -> memref<1000x1024xf32, #tpu.memory_space<hbm>>
    tpu.wait_indirect_dma semaphore(%arg12 : memref<!tpu.dma_semaphore, #tpu.memory_space<semaphore_mem>>) src(%dma_wait3A_81 : memref<1000x1024xf32, #tpu.memory_space<hbm>>) dst(%dma_wait3A_76 : memref<24x1024xf32, #tpu.memory_space<vmem>>)
    %add3A_82 = arith.constant 48 : i32
    %add3A_83 = arith.addi %select_n3A, %add3A_82 : i32
    %dma_start3A_84 = arith.constant 0 : i32
    %dma_start3A_85 = arith.constant 0 : i32
    %dma_start3A_86 = tpu.memref_slice %arg8[%dma_start3A_84, %dma_start3A_85] : memref<24x1024xf32, #tpu.memory_space<vmem>> -> memref<24x1024xf32, #tpu.memory_space<vmem>>
    %dma_start3A_87 = arith.constant 0 : i32
    %dma_start3A_88 = tpu.memref_slice %arg4[%add3A_83, %dma_start3A_87] : memref<100000x1024xf32, #tpu.memory_space<hbm>> -> memref<24x1024xf32, #tpu.memory_space<hbm>>
    %dma_start3A_89 = arith.constant 0 : i32
    %dma_start3A_90 = tpu.memref_slice %arg4[%add3A_83, %dma_start3A_89] : memref<100000x1024xf32, #tpu.memory_space<hbm>> -> memref<24x1024xf32, #tpu.memory_space<hbm>>
    %dma_start3A_91 = arith.constant 0 : i32
    %dma_start3A_92 = arith.constant 0 : i32
    %dma_start3A_93 = tpu.memref_slice %arg8[%dma_start3A_91, %dma_start3A_92] : memref<24x1024xf32, #tpu.memory_space<vmem>> -> memref<24x1024xf32, #tpu.memory_space<vmem>>
    tpu.enqueue_dma source(%dma_start3A_93 : memref<24x1024xf32, #tpu.memory_space<vmem>>) target(%dma_start3A_90 : memref<24x1024xf32, #tpu.memory_space<hbm>>) target_semaphore(%arg16 : memref<!tpu.dma_semaphore, #tpu.memory_space<semaphore_mem>>)
    %add3A_94 = arith.constant 0 : i32
    %add3A_95 = arith.addi %select_n3A, %add3A_94 : i32
    %dma_wait3A_96 = arith.constant 0 : i32
    %dma_wait3A_97 = arith.constant 0 : i32
    %dma_wait3A_98 = tpu.memref_slice %arg6[%dma_wait3A_96, %dma_wait3A_97] : memref<24x1024xf32, #tpu.memory_space<vmem>> -> memref<24x1024xf32, #tpu.memory_space<vmem>>
    %dma_wait3A_99 = arith.constant 0 : i32
    %dma_wait3A_100 = tpu.memref_slice %arg4[%add3A_95, %dma_wait3A_99] : memref<100000x1024xf32, #tpu.memory_space<hbm>> -> memref<24x1024xf32, #tpu.memory_space<hbm>>
    %dma_wait3A_101 = arith.constant 0 : i32
    %dma_wait3A_102 = tpu.memref_slice %arg4[%add3A_95, %dma_wait3A_101] : memref<100000x1024xf32, #tpu.memory_space<hbm>> -> memref<24x1024xf32, #tpu.memory_space<hbm>>
    %dma_wait3A_103 = arith.constant 0 : i32
    %dma_wait3A_104 = arith.constant 0 : i32
    %dma_wait3A_105 = tpu.memref_slice %arg6[%dma_wait3A_103, %dma_wait3A_104] : memref<24x1024xf32, #tpu.memory_space<vmem>> -> memref<24x1024xf32, #tpu.memory_space<vmem>>
    tpu.wait_dma2 semaphore(%arg14 : memref<!tpu.dma_semaphore, #tpu.memory_space<semaphore_mem>>) src(%dma_wait3A_105 : memref<24x1024xf32, #tpu.memory_space<vmem>>) dst(%dma_wait3A_102 : memref<24x1024xf32, #tpu.memory_space<hbm>>)
    %dma_start3A_106 = arith.constant 0 : i32
    %dma_start3A_107 = arith.constant 0 : i32
    %dma_start3A_108 = tpu.memref_slice %arg6[%dma_start3A_106, %dma_start3A_107] : memref<24x1024xf32, #tpu.memory_space<vmem>> -> memref<24x1024xf32, #tpu.memory_space<vmem>>
    %dma_start3A_109 = arith.constant 96 : i32
    %dma_start3A_110 = tpu.memref_slice %arg5[%dma_start3A_109] : memref<3128xi32, #tpu.memory_space<vmem>> -> memref<24xi32, #tpu.memory_space<vmem>>
    %dma_start3A_111 = arith.constant 0 : i32
    %dma_start3A_112 = arith.constant 0 : i32
    %dma_start3A_113 = tpu.memref_slice %arg2[%dma_start3A_111, %dma_start3A_112] : memref<1000x1024xf32, #tpu.memory_space<hbm>> -> memref<1000x1024xf32, #tpu.memory_space<hbm>>
    tpu.enqueue_indirect_dma source(%dma_start3A_113 : memref<1000x1024xf32, #tpu.memory_space<hbm>>) target(%dma_start3A_108 : memref<24x1024xf32, #tpu.memory_space<vmem>>) offsets(%dma_start3A_110 : memref<24xi32, #tpu.memory_space<vmem>>) semaphore(%arg10 : memref<!tpu.dma_semaphore, #tpu.memory_space<semaphore_mem>>)
    %dma_wait3A_114 = arith.constant 0 : i32
    %dma_wait3A_115 = arith.constant 0 : i32
    %dma_wait3A_116 = tpu.memref_slice %arg9[%dma_wait3A_114, %dma_wait3A_115] : memref<24x1024xf32, #tpu.memory_space<vmem>> -> memref<24x1024xf32, #tpu.memory_space<vmem>>
    %dma_wait3A_117 = arith.constant 72 : i32
    %dma_wait3A_118 = tpu.memref_slice %arg5[%dma_wait3A_117] : memref<3128xi32, #tpu.memory_space<vmem>> -> memref<24xi32, #tpu.memory_space<vmem>>
    %dma_wait3A_119 = arith.constant 0 : i32
    %dma_wait3A_120 = arith.constant 0 : i32
    %dma_wait3A_121 = tpu.memref_slice %arg2[%dma_wait3A_119, %dma_wait3A_120] : memref<1000x1024xf32, #tpu.memory_space<hbm>> -> memref<1000x1024xf32, #tpu.memory_space<hbm>>
    tpu.wait_indirect_dma semaphore(%arg13 : memref<!tpu.dma_semaphore, #tpu.memory_space<semaphore_mem>>) src(%dma_wait3A_121 : memref<1000x1024xf32, #tpu.memory_space<hbm>>) dst(%dma_wait3A_116 : memref<24x1024xf32, #tpu.memory_space<vmem>>)
    %add3A_122 = arith.constant 72 : i32
    %add3A_123 = arith.addi %select_n3A, %add3A_122 : i32
    %dma_start3A_124 = arith.constant 0 : i32
    %dma_start3A_125 = arith.constant 0 : i32
    %dma_start3A_126 = tpu.memref_slice %arg9[%dma_start3A_124, %dma_start3A_125] : memref<24x1024xf32, #tpu.memory_space<vmem>> -> memref<24x1024xf32, #tpu.memory_space<vmem>>
    %dma_start3A_127 = arith.constant 0 : i32
    %dma_start3A_128 = tpu.memref_slice %arg4[%add3A_123, %dma_start3A_127] : memref<100000x1024xf32, #tpu.memory_space<hbm>> -> memref<24x1024xf32, #tpu.memory_space<hbm>>
    %dma_start3A_129 = arith.constant 0 : i32
    %dma_start3A_130 = tpu.memref_slice %arg4[%add3A_123, %dma_start3A_129] : memref<100000x1024xf32, #tpu.memory_space<hbm>> -> memref<24x1024xf32, #tpu.memory_space<hbm>>
    %dma_start3A_131 = arith.constant 0 : i32
    %dma_start3A_132 = arith.constant 0 : i32
    %dma_start3A_133 = tpu.memref_slice %arg9[%dma_start3A_131, %dma_start3A_132] : memref<24x1024xf32, #tpu.memory_space<vmem>> -> memref<24x1024xf32, #tpu.memory_space<vmem>>
    tpu.enqueue_dma source(%dma_start3A_133 : memref<24x1024xf32, #tpu.memory_space<vmem>>) target(%dma_start3A_130 : memref<24x1024xf32, #tpu.memory_space<hbm>>) target_semaphore(%arg17 : memref<!tpu.dma_semaphore, #tpu.memory_space<semaphore_mem>>)
    %add3A_134 = arith.constant 24 : i32
    %add3A_135 = arith.addi %select_n3A, %add3A_134 : i32
    %dma_wait3A_136 = arith.constant 0 : i32
    %dma_wait3A_137 = arith.constant 0 : i32
    %dma_wait3A_138 = tpu.memref_slice %arg7[%dma_wait3A_136, %dma_wait3A_137] : memref<24x1024xf32, #tpu.memory_space<vmem>> -> memref<24x1024xf32, #tpu.memory_space<vmem>>
    %dma_wait3A_139 = arith.constant 0 : i32
    %dma_wait3A_140 = tpu.memref_slice %arg4[%add3A_135, %dma_wait3A_139] : memref<100000x1024xf32, #tpu.memory_space<hbm>> -> memref<24x1024xf32, #tpu.memory_space<hbm>>
    %dma_wait3A_141 = arith.constant 0 : i32
    %dma_wait3A_142 = tpu.memref_slice %arg4[%add3A_135, %dma_wait3A_141] : memref<100000x1024xf32, #tpu.memory_space<hbm>> -> memref<24x1024xf32, #tpu.memory_space<hbm>>
    %dma_wait3A_143 = arith.constant 0 : i32
    %dma_wait3A_144 = arith.constant 0 : i32
    %dma_wait3A_145 = tpu.memref_slice %arg7[%dma_wait3A_143, %dma_wait3A_144] : memref<24x1024xf32, #tpu.memory_space<vmem>> -> memref<24x1024xf32, #tpu.memory_space<vmem>>
    tpu.wait_dma2 semaphore(%arg15 : memref<!tpu.dma_semaphore, #tpu.memory_space<semaphore_mem>>) src(%dma_wait3A_145 : memref<24x1024xf32, #tpu.memory_space<vmem>>) dst(%dma_wait3A_142 : memref<24x1024xf32, #tpu.memory_space<hbm>>)
    %dma_start3A_146 = arith.constant 0 : i32
    %dma_start3A_147 = arith.constant 0 : i32
    %dma_start3A_148 = tpu.memref_slice %arg7[%dma_start3A_146, %dma_start3A_147] : memref<24x1024xf32, #tpu.memory_space<vmem>> -> memref<24x1024xf32, #tpu.memory_space<vmem>>
    %dma_start3A_149 = arith.constant 120 : i32
    %dma_start3A_150 = tpu.memref_slice %arg5[%dma_start3A_149] : memref<3128xi32, #tpu.memory_space<vmem>> -> memref<24xi32, #tpu.memory_space<vmem>>
    %dma_start3A_151 = arith.constant 0 : i32
    %dma_start3A_152 = arith.constant 0 : i32
    %dma_start3A_153 = tpu.memref_slice %arg2[%dma_start3A_151, %dma_start3A_152] : memref<1000x1024xf32, #tpu.memory_space<hbm>> -> memref<1000x1024xf32, #tpu.memory_space<hbm>>
    tpu.enqueue_indirect_dma source(%dma_start3A_153 : memref<1000x1024xf32, #tpu.memory_space<hbm>>) target(%dma_start3A_148 : memref<24x1024xf32, #tpu.memory_space<vmem>>) offsets(%dma_start3A_150 : memref<24xi32, #tpu.memory_space<vmem>>) semaphore(%arg11 : memref<!tpu.dma_semaphore, #tpu.memory_space<semaphore_mem>>)
    %scan3A = arith.constant 0 : i32
    %scan3A_154 = arith.constant 1 : i32
    %scan3A_155 = arith.constant 31 : i32
    %scan3A_156 = arith.addi %scan3A_154, %scan3A_155 : i32
    %scan3A_157 = arith.constant 1 : i32
    scf.for %scan3A_287 = %scan3A_154 to %scan3A_156 step %scan3A_157  : i32 {
      %mul3A_288 = arith.constant 4 : i32
      %mul3A_289 = arith.muli %scan3A_287, %mul3A_288 : i32
      %add3A_290 = arith.constant 0 : i32
      %add3A_291 = arith.addi %mul3A_289, %add3A_290 : i32
      %add3A_292 = arith.constant 0 : i32
      %add3A_293 = arith.addi %mul3A_289, %add3A_292 : i32
      %sub3A = arith.constant 2 : i32
      %sub3A_294 = arith.subi %add3A_293, %sub3A : i32
      %add3A_295 = arith.constant 0 : i32
      %add3A_296 = arith.addi %mul3A_289, %add3A_295 : i32
      %add3A_297 = arith.constant 2 : i32
      %add3A_298 = arith.addi %add3A_296, %add3A_297 : i32
      %mul3A_299 = arith.constant 24 : i32
      %mul3A_300 = arith.muli %add3A_291, %mul3A_299 : i32
      %dma_wait3A_301 = arith.constant 0 : i32
      %dma_wait3A_302 = arith.constant 0 : i32
      %dma_wait3A_303 = tpu.memref_slice %arg6[%dma_wait3A_301, %dma_wait3A_302] : memref<24x1024xf32, #tpu.memory_space<vmem>> -> memref<24x1024xf32, #tpu.memory_space<vmem>>
      %dma_wait3A_304 = tpu.memref_slice %arg5[%mul3A_300] : memref<3128xi32, #tpu.memory_space<vmem>> -> memref<24xi32, #tpu.memory_space<vmem>>
      %dma_wait3A_305 = arith.constant 0 : i32
      %dma_wait3A_306 = arith.constant 0 : i32
      %dma_wait3A_307 = tpu.memref_slice %arg2[%dma_wait3A_305, %dma_wait3A_306] : memref<1000x1024xf32, #tpu.memory_space<hbm>> -> memref<1000x1024xf32, #tpu.memory_space<hbm>>
      tpu.wait_indirect_dma semaphore(%arg10 : memref<!tpu.dma_semaphore, #tpu.memory_space<semaphore_mem>>) src(%dma_wait3A_307 : memref<1000x1024xf32, #tpu.memory_space<hbm>>) dst(%dma_wait3A_303 : memref<24x1024xf32, #tpu.memory_space<vmem>>)
      %mul3A_308 = arith.constant 24 : i32
      %mul3A_309 = arith.muli %add3A_291, %mul3A_308 : i32
      %add3A_310 = arith.addi %select_n3A, %mul3A_309 : i32
      %dma_start3A_311 = arith.constant 0 : i32
      %dma_start3A_312 = arith.constant 0 : i32
      %dma_start3A_313 = tpu.memref_slice %arg6[%dma_start3A_311, %dma_start3A_312] : memref<24x1024xf32, #tpu.memory_space<vmem>> -> memref<24x1024xf32, #tpu.memory_space<vmem>>
      %dma_start3A_314 = arith.constant 0 : i32
      %dma_start3A_315 = tpu.memref_slice %arg4[%add3A_310, %dma_start3A_314] : memref<100000x1024xf32, #tpu.memory_space<hbm>> -> memref<24x1024xf32, #tpu.memory_space<hbm>>
      %dma_start3A_316 = arith.constant 0 : i32
      %dma_start3A_317 = tpu.memref_slice %arg4[%add3A_310, %dma_start3A_316] : memref<100000x1024xf32, #tpu.memory_space<hbm>> -> memref<24x1024xf32, #tpu.memory_space<hbm>>
      %dma_start3A_318 = arith.constant 0 : i32
      %dma_start3A_319 = arith.constant 0 : i32
      %dma_start3A_320 = tpu.memref_slice %arg6[%dma_start3A_318, %dma_start3A_319] : memref<24x1024xf32, #tpu.memory_space<vmem>> -> memref<24x1024xf32, #tpu.memory_space<vmem>>
      tpu.enqueue_dma source(%dma_start3A_320 : memref<24x1024xf32, #tpu.memory_space<vmem>>) target(%dma_start3A_317 : memref<24x1024xf32, #tpu.memory_space<hbm>>) target_semaphore(%arg14 : memref<!tpu.dma_semaphore, #tpu.memory_space<semaphore_mem>>)
      %mul3A_321 = arith.constant 24 : i32
      %mul3A_322 = arith.muli %sub3A_294, %mul3A_321 : i32
      %add3A_323 = arith.addi %select_n3A, %mul3A_322 : i32
      %dma_wait3A_324 = arith.constant 0 : i32
      %dma_wait3A_325 = arith.constant 0 : i32
      %dma_wait3A_326 = tpu.memref_slice %arg8[%dma_wait3A_324, %dma_wait3A_325] : memref<24x1024xf32, #tpu.memory_space<vmem>> -> memref<24x1024xf32, #tpu.memory_space<vmem>>
      %dma_wait3A_327 = arith.constant 0 : i32
      %dma_wait3A_328 = tpu.memref_slice %arg4[%add3A_323, %dma_wait3A_327] : memref<100000x1024xf32, #tpu.memory_space<hbm>> -> memref<24x1024xf32, #tpu.memory_space<hbm>>
      %dma_wait3A_329 = arith.constant 0 : i32
      %dma_wait3A_330 = tpu.memref_slice %arg4[%add3A_323, %dma_wait3A_329] : memref<100000x1024xf32, #tpu.memory_space<hbm>> -> memref<24x1024xf32, #tpu.memory_space<hbm>>
      %dma_wait3A_331 = arith.constant 0 : i32
      %dma_wait3A_332 = arith.constant 0 : i32
      %dma_wait3A_333 = tpu.memref_slice %arg8[%dma_wait3A_331, %dma_wait3A_332] : memref<24x1024xf32, #tpu.memory_space<vmem>> -> memref<24x1024xf32, #tpu.memory_space<vmem>>
      tpu.wait_dma2 semaphore(%arg16 : memref<!tpu.dma_semaphore, #tpu.memory_space<semaphore_mem>>) src(%dma_wait3A_333 : memref<24x1024xf32, #tpu.memory_space<vmem>>) dst(%dma_wait3A_330 : memref<24x1024xf32, #tpu.memory_space<hbm>>)
      %mul3A_334 = arith.constant 24 : i32
      %mul3A_335 = arith.muli %add3A_298, %mul3A_334 : i32
      %dma_start3A_336 = arith.constant 0 : i32
      %dma_start3A_337 = arith.constant 0 : i32
      %dma_start3A_338 = tpu.memref_slice %arg8[%dma_start3A_336, %dma_start3A_337] : memref<24x1024xf32, #tpu.memory_space<vmem>> -> memref<24x1024xf32, #tpu.memory_space<vmem>>
      %dma_start3A_339 = tpu.memref_slice %arg5[%mul3A_335] : memref<3128xi32, #tpu.memory_space<vmem>> -> memref<24xi32, #tpu.memory_space<vmem>>
      %dma_start3A_340 = arith.constant 0 : i32
      %dma_start3A_341 = arith.constant 0 : i32
      %dma_start3A_342 = tpu.memref_slice %arg2[%dma_start3A_340, %dma_start3A_341] : memref<1000x1024xf32, #tpu.memory_space<hbm>> -> memref<1000x1024xf32, #tpu.memory_space<hbm>>
      tpu.enqueue_indirect_dma source(%dma_start3A_342 : memref<1000x1024xf32, #tpu.memory_space<hbm>>) target(%dma_start3A_338 : memref<24x1024xf32, #tpu.memory_space<vmem>>) offsets(%dma_start3A_339 : memref<24xi32, #tpu.memory_space<vmem>>) semaphore(%arg12 : memref<!tpu.dma_semaphore, #tpu.memory_space<semaphore_mem>>)
      %add3A_343 = arith.constant 1 : i32
      %add3A_344 = arith.addi %mul3A_289, %add3A_343 : i32
      %add3A_345 = arith.constant 1 : i32
      %add3A_346 = arith.addi %mul3A_289, %add3A_345 : i32
      %sub3A_347 = arith.constant 2 : i32
      %sub3A_348 = arith.subi %add3A_346, %sub3A_347 : i32
      %add3A_349 = arith.constant 1 : i32
      %add3A_350 = arith.addi %mul3A_289, %add3A_349 : i32
      %add3A_351 = arith.constant 2 : i32
      %add3A_352 = arith.addi %add3A_350, %add3A_351 : i32
      %mul3A_353 = arith.constant 24 : i32
      %mul3A_354 = arith.muli %add3A_344, %mul3A_353 : i32
      %dma_wait3A_355 = arith.constant 0 : i32
      %dma_wait3A_356 = arith.constant 0 : i32
      %dma_wait3A_357 = tpu.memref_slice %arg7[%dma_wait3A_355, %dma_wait3A_356] : memref<24x1024xf32, #tpu.memory_space<vmem>> -> memref<24x1024xf32, #tpu.memory_space<vmem>>
      %dma_wait3A_358 = tpu.memref_slice %arg5[%mul3A_354] : memref<3128xi32, #tpu.memory_space<vmem>> -> memref<24xi32, #tpu.memory_space<vmem>>
      %dma_wait3A_359 = arith.constant 0 : i32
      %dma_wait3A_360 = arith.constant 0 : i32
      %dma_wait3A_361 = tpu.memref_slice %arg2[%dma_wait3A_359, %dma_wait3A_360] : memref<1000x1024xf32, #tpu.memory_space<hbm>> -> memref<1000x1024xf32, #tpu.memory_space<hbm>>
      tpu.wait_indirect_dma semaphore(%arg11 : memref<!tpu.dma_semaphore, #tpu.memory_space<semaphore_mem>>) src(%dma_wait3A_361 : memref<1000x1024xf32, #tpu.memory_space<hbm>>) dst(%dma_wait3A_357 : memref<24x1024xf32, #tpu.memory_space<vmem>>)
      %mul3A_362 = arith.constant 24 : i32
      %mul3A_363 = arith.muli %add3A_344, %mul3A_362 : i32
      %add3A_364 = arith.addi %select_n3A, %mul3A_363 : i32
      %dma_start3A_365 = arith.constant 0 : i32
      %dma_start3A_366 = arith.constant 0 : i32
      %dma_start3A_367 = tpu.memref_slice %arg7[%dma_start3A_365, %dma_start3A_366] : memref<24x1024xf32, #tpu.memory_space<vmem>> -> memref<24x1024xf32, #tpu.memory_space<vmem>>
      %dma_start3A_368 = arith.constant 0 : i32
      %dma_start3A_369 = tpu.memref_slice %arg4[%add3A_364, %dma_start3A_368] : memref<100000x1024xf32, #tpu.memory_space<hbm>> -> memref<24x1024xf32, #tpu.memory_space<hbm>>
      %dma_start3A_370 = arith.constant 0 : i32
      %dma_start3A_371 = tpu.memref_slice %arg4[%add3A_364, %dma_start3A_370] : memref<100000x1024xf32, #tpu.memory_space<hbm>> -> memref<24x1024xf32, #tpu.memory_space<hbm>>
      %dma_start3A_372 = arith.constant 0 : i32
      %dma_start3A_373 = arith.constant 0 : i32
      %dma_start3A_374 = tpu.memref_slice %arg7[%dma_start3A_372, %dma_start3A_373] : memref<24x1024xf32, #tpu.memory_space<vmem>> -> memref<24x1024xf32, #tpu.memory_space<vmem>>
      tpu.enqueue_dma source(%dma_start3A_374 : memref<24x1024xf32, #tpu.memory_space<vmem>>) target(%dma_start3A_371 : memref<24x1024xf32, #tpu.memory_space<hbm>>) target_semaphore(%arg15 : memref<!tpu.dma_semaphore, #tpu.memory_space<semaphore_mem>>)
      %mul3A_375 = arith.constant 24 : i32
      %mul3A_376 = arith.muli %sub3A_348, %mul3A_375 : i32
      %add3A_377 = arith.addi %select_n3A, %mul3A_376 : i32
      %dma_wait3A_378 = arith.constant 0 : i32
      %dma_wait3A_379 = arith.constant 0 : i32
      %dma_wait3A_380 = tpu.memref_slice %arg9[%dma_wait3A_378, %dma_wait3A_379] : memref<24x1024xf32, #tpu.memory_space<vmem>> -> memref<24x1024xf32, #tpu.memory_space<vmem>>
      %dma_wait3A_381 = arith.constant 0 : i32
      %dma_wait3A_382 = tpu.memref_slice %arg4[%add3A_377, %dma_wait3A_381] : memref<100000x1024xf32, #tpu.memory_space<hbm>> -> memref<24x1024xf32, #tpu.memory_space<hbm>>
      %dma_wait3A_383 = arith.constant 0 : i32
      %dma_wait3A_384 = tpu.memref_slice %arg4[%add3A_377, %dma_wait3A_383] : memref<100000x1024xf32, #tpu.memory_space<hbm>> -> memref<24x1024xf32, #tpu.memory_space<hbm>>
      %dma_wait3A_385 = arith.constant 0 : i32
      %dma_wait3A_386 = arith.constant 0 : i32
      %dma_wait3A_387 = tpu.memref_slice %arg9[%dma_wait3A_385, %dma_wait3A_386] : memref<24x1024xf32, #tpu.memory_space<vmem>> -> memref<24x1024xf32, #tpu.memory_space<vmem>>
      tpu.wait_dma2 semaphore(%arg17 : memref<!tpu.dma_semaphore, #tpu.memory_space<semaphore_mem>>) src(%dma_wait3A_387 : memref<24x1024xf32, #tpu.memory_space<vmem>>) dst(%dma_wait3A_384 : memref<24x1024xf32, #tpu.memory_space<hbm>>)
      %mul3A_388 = arith.constant 24 : i32
      %mul3A_389 = arith.muli %add3A_352, %mul3A_388 : i32
      %dma_start3A_390 = arith.constant 0 : i32
      %dma_start3A_391 = arith.constant 0 : i32
      %dma_start3A_392 = tpu.memref_slice %arg9[%dma_start3A_390, %dma_start3A_391] : memref<24x1024xf32, #tpu.memory_space<vmem>> -> memref<24x1024xf32, #tpu.memory_space<vmem>>
      %dma_start3A_393 = tpu.memref_slice %arg5[%mul3A_389] : memref<3128xi32, #tpu.memory_space<vmem>> -> memref<24xi32, #tpu.memory_space<vmem>>
      %dma_start3A_394 = arith.constant 0 : i32
      %dma_start3A_395 = arith.constant 0 : i32
      %dma_start3A_396 = tpu.memref_slice %arg2[%dma_start3A_394, %dma_start3A_395] : memref<1000x1024xf32, #tpu.memory_space<hbm>> -> memref<1000x1024xf32, #tpu.memory_space<hbm>>
      tpu.enqueue_indirect_dma source(%dma_start3A_396 : memref<1000x1024xf32, #tpu.memory_space<hbm>>) target(%dma_start3A_392 : memref<24x1024xf32, #tpu.memory_space<vmem>>) offsets(%dma_start3A_393 : memref<24xi32, #tpu.memory_space<vmem>>) semaphore(%arg13 : memref<!tpu.dma_semaphore, #tpu.memory_space<semaphore_mem>>)
      %add3A_397 = arith.constant 2 : i32
      %add3A_398 = arith.addi %mul3A_289, %add3A_397 : i32
      %add3A_399 = arith.constant 2 : i32
      %add3A_400 = arith.addi %mul3A_289, %add3A_399 : i32
      %sub3A_401 = arith.constant 2 : i32
      %sub3A_402 = arith.subi %add3A_400, %sub3A_401 : i32
      %add3A_403 = arith.constant 2 : i32
      %add3A_404 = arith.addi %mul3A_289, %add3A_403 : i32
      %add3A_405 = arith.constant 2 : i32
      %add3A_406 = arith.addi %add3A_404, %add3A_405 : i32
      %mul3A_407 = arith.constant 24 : i32
      %mul3A_408 = arith.muli %add3A_398, %mul3A_407 : i32
      %dma_wait3A_409 = arith.constant 0 : i32
      %dma_wait3A_410 = arith.constant 0 : i32
      %dma_wait3A_411 = tpu.memref_slice %arg8[%dma_wait3A_409, %dma_wait3A_410] : memref<24x1024xf32, #tpu.memory_space<vmem>> -> memref<24x1024xf32, #tpu.memory_space<vmem>>
      %dma_wait3A_412 = tpu.memref_slice %arg5[%mul3A_408] : memref<3128xi32, #tpu.memory_space<vmem>> -> memref<24xi32, #tpu.memory_space<vmem>>
      %dma_wait3A_413 = arith.constant 0 : i32
      %dma_wait3A_414 = arith.constant 0 : i32
      %dma_wait3A_415 = tpu.memref_slice %arg2[%dma_wait3A_413, %dma_wait3A_414] : memref<1000x1024xf32, #tpu.memory_space<hbm>> -> memref<1000x1024xf32, #tpu.memory_space<hbm>>
      tpu.wait_indirect_dma semaphore(%arg12 : memref<!tpu.dma_semaphore, #tpu.memory_space<semaphore_mem>>) src(%dma_wait3A_415 : memref<1000x1024xf32, #tpu.memory_space<hbm>>) dst(%dma_wait3A_411 : memref<24x1024xf32, #tpu.memory_space<vmem>>)
      %mul3A_416 = arith.constant 24 : i32
      %mul3A_417 = arith.muli %add3A_398, %mul3A_416 : i32
      %add3A_418 = arith.addi %select_n3A, %mul3A_417 : i32
      %dma_start3A_419 = arith.constant 0 : i32
      %dma_start3A_420 = arith.constant 0 : i32
      %dma_start3A_421 = tpu.memref_slice %arg8[%dma_start3A_419, %dma_start3A_420] : memref<24x1024xf32, #tpu.memory_space<vmem>> -> memref<24x1024xf32, #tpu.memory_space<vmem>>
      %dma_start3A_422 = arith.constant 0 : i32
      %dma_start3A_423 = tpu.memref_slice %arg4[%add3A_418, %dma_start3A_422] : memref<100000x1024xf32, #tpu.memory_space<hbm>> -> memref<24x1024xf32, #tpu.memory_space<hbm>>
      %dma_start3A_424 = arith.constant 0 : i32
      %dma_start3A_425 = tpu.memref_slice %arg4[%add3A_418, %dma_start3A_424] : memref<100000x1024xf32, #tpu.memory_space<hbm>> -> memref<24x1024xf32, #tpu.memory_space<hbm>>
      %dma_start3A_426 = arith.constant 0 : i32
      %dma_start3A_427 = arith.constant 0 : i32
      %dma_start3A_428 = tpu.memref_slice %arg8[%dma_start3A_426, %dma_start3A_427] : memref<24x1024xf32, #tpu.memory_space<vmem>> -> memref<24x1024xf32, #tpu.memory_space<vmem>>
      tpu.enqueue_dma source(%dma_start3A_428 : memref<24x1024xf32, #tpu.memory_space<vmem>>) target(%dma_start3A_425 : memref<24x1024xf32, #tpu.memory_space<hbm>>) target_semaphore(%arg16 : memref<!tpu.dma_semaphore, #tpu.memory_space<semaphore_mem>>)
      %mul3A_429 = arith.constant 24 : i32
      %mul3A_430 = arith.muli %sub3A_402, %mul3A_429 : i32
      %add3A_431 = arith.addi %select_n3A, %mul3A_430 : i32
      %dma_wait3A_432 = arith.constant 0 : i32
      %dma_wait3A_433 = arith.constant 0 : i32
      %dma_wait3A_434 = tpu.memref_slice %arg6[%dma_wait3A_432, %dma_wait3A_433] : memref<24x1024xf32, #tpu.memory_space<vmem>> -> memref<24x1024xf32, #tpu.memory_space<vmem>>
      %dma_wait3A_435 = arith.constant 0 : i32
      %dma_wait3A_436 = tpu.memref_slice %arg4[%add3A_431, %dma_wait3A_435] : memref<100000x1024xf32, #tpu.memory_space<hbm>> -> memref<24x1024xf32, #tpu.memory_space<hbm>>
      %dma_wait3A_437 = arith.constant 0 : i32
      %dma_wait3A_438 = tpu.memref_slice %arg4[%add3A_431, %dma_wait3A_437] : memref<100000x1024xf32, #tpu.memory_space<hbm>> -> memref<24x1024xf32, #tpu.memory_space<hbm>>
      %dma_wait3A_439 = arith.constant 0 : i32
      %dma_wait3A_440 = arith.constant 0 : i32
      %dma_wait3A_441 = tpu.memref_slice %arg6[%dma_wait3A_439, %dma_wait3A_440] : memref<24x1024xf32, #tpu.memory_space<vmem>> -> memref<24x1024xf32, #tpu.memory_space<vmem>>
      tpu.wait_dma2 semaphore(%arg14 : memref<!tpu.dma_semaphore, #tpu.memory_space<semaphore_mem>>) src(%dma_wait3A_441 : memref<24x1024xf32, #tpu.memory_space<vmem>>) dst(%dma_wait3A_438 : memref<24x1024xf32, #tpu.memory_space<hbm>>)
      %mul3A_442 = arith.constant 24 : i32
      %mul3A_443 = arith.muli %add3A_406, %mul3A_442 : i32
      %dma_start3A_444 = arith.constant 0 : i32
      %dma_start3A_445 = arith.constant 0 : i32
      %dma_start3A_446 = tpu.memref_slice %arg6[%dma_start3A_444, %dma_start3A_445] : memref<24x1024xf32, #tpu.memory_space<vmem>> -> memref<24x1024xf32, #tpu.memory_space<vmem>>
      %dma_start3A_447 = tpu.memref_slice %arg5[%mul3A_443] : memref<3128xi32, #tpu.memory_space<vmem>> -> memref<24xi32, #tpu.memory_space<vmem>>
      %dma_start3A_448 = arith.constant 0 : i32
      %dma_start3A_449 = arith.constant 0 : i32
      %dma_start3A_450 = tpu.memref_slice %arg2[%dma_start3A_448, %dma_start3A_449] : memref<1000x1024xf32, #tpu.memory_space<hbm>> -> memref<1000x1024xf32, #tpu.memory_space<hbm>>
      tpu.enqueue_indirect_dma source(%dma_start3A_450 : memref<1000x1024xf32, #tpu.memory_space<hbm>>) target(%dma_start3A_446 : memref<24x1024xf32, #tpu.memory_space<vmem>>) offsets(%dma_start3A_447 : memref<24xi32, #tpu.memory_space<vmem>>) semaphore(%arg10 : memref<!tpu.dma_semaphore, #tpu.memory_space<semaphore_mem>>)
      %add3A_451 = arith.constant 3 : i32
      %add3A_452 = arith.addi %mul3A_289, %add3A_451 : i32
      %add3A_453 = arith.constant 3 : i32
      %add3A_454 = arith.addi %mul3A_289, %add3A_453 : i32
      %sub3A_455 = arith.constant 2 : i32
      %sub3A_456 = arith.subi %add3A_454, %sub3A_455 : i32
      %add3A_457 = arith.constant 3 : i32
      %add3A_458 = arith.addi %mul3A_289, %add3A_457 : i32
      %add3A_459 = arith.constant 2 : i32
      %add3A_460 = arith.addi %add3A_458, %add3A_459 : i32
      %mul3A_461 = arith.constant 24 : i32
      %mul3A_462 = arith.muli %add3A_452, %mul3A_461 : i32
      %dma_wait3A_463 = arith.constant 0 : i32
      %dma_wait3A_464 = arith.constant 0 : i32
      %dma_wait3A_465 = tpu.memref_slice %arg9[%dma_wait3A_463, %dma_wait3A_464] : memref<24x1024xf32, #tpu.memory_space<vmem>> -> memref<24x1024xf32, #tpu.memory_space<vmem>>
      %dma_wait3A_466 = tpu.memref_slice %arg5[%mul3A_462] : memref<3128xi32, #tpu.memory_space<vmem>> -> memref<24xi32, #tpu.memory_space<vmem>>
      %dma_wait3A_467 = arith.constant 0 : i32
      %dma_wait3A_468 = arith.constant 0 : i32
      %dma_wait3A_469 = tpu.memref_slice %arg2[%dma_wait3A_467, %dma_wait3A_468] : memref<1000x1024xf32, #tpu.memory_space<hbm>> -> memref<1000x1024xf32, #tpu.memory_space<hbm>>
      tpu.wait_indirect_dma semaphore(%arg13 : memref<!tpu.dma_semaphore, #tpu.memory_space<semaphore_mem>>) src(%dma_wait3A_469 : memref<1000x1024xf32, #tpu.memory_space<hbm>>) dst(%dma_wait3A_465 : memref<24x1024xf32, #tpu.memory_space<vmem>>)
      %mul3A_470 = arith.constant 24 : i32
      %mul3A_471 = arith.muli %add3A_452, %mul3A_470 : i32
      %add3A_472 = arith.addi %select_n3A, %mul3A_471 : i32
      %dma_start3A_473 = arith.constant 0 : i32
      %dma_start3A_474 = arith.constant 0 : i32
      %dma_start3A_475 = tpu.memref_slice %arg9[%dma_start3A_473, %dma_start3A_474] : memref<24x1024xf32, #tpu.memory_space<vmem>> -> memref<24x1024xf32, #tpu.memory_space<vmem>>
      %dma_start3A_476 = arith.constant 0 : i32
      %dma_start3A_477 = tpu.memref_slice %arg4[%add3A_472, %dma_start3A_476] : memref<100000x1024xf32, #tpu.memory_space<hbm>> -> memref<24x1024xf32, #tpu.memory_space<hbm>>
      %dma_start3A_478 = arith.constant 0 : i32
      %dma_start3A_479 = tpu.memref_slice %arg4[%add3A_472, %dma_start3A_478] : memref<100000x1024xf32, #tpu.memory_space<hbm>> -> memref<24x1024xf32, #tpu.memory_space<hbm>>
      %dma_start3A_480 = arith.constant 0 : i32
      %dma_start3A_481 = arith.constant 0 : i32
      %dma_start3A_482 = tpu.memref_slice %arg9[%dma_start3A_480, %dma_start3A_481] : memref<24x1024xf32, #tpu.memory_space<vmem>> -> memref<24x1024xf32, #tpu.memory_space<vmem>>
      tpu.enqueue_dma source(%dma_start3A_482 : memref<24x1024xf32, #tpu.memory_space<vmem>>) target(%dma_start3A_479 : memref<24x1024xf32, #tpu.memory_space<hbm>>) target_semaphore(%arg17 : memref<!tpu.dma_semaphore, #tpu.memory_space<semaphore_mem>>)
      %mul3A_483 = arith.constant 24 : i32
      %mul3A_484 = arith.muli %sub3A_456, %mul3A_483 : i32
      %add3A_485 = arith.addi %select_n3A, %mul3A_484 : i32
      %dma_wait3A_486 = arith.constant 0 : i32
      %dma_wait3A_487 = arith.constant 0 : i32
      %dma_wait3A_488 = tpu.memref_slice %arg7[%dma_wait3A_486, %dma_wait3A_487] : memref<24x1024xf32, #tpu.memory_space<vmem>> -> memref<24x1024xf32, #tpu.memory_space<vmem>>
      %dma_wait3A_489 = arith.constant 0 : i32
      %dma_wait3A_490 = tpu.memref_slice %arg4[%add3A_485, %dma_wait3A_489] : memref<100000x1024xf32, #tpu.memory_space<hbm>> -> memref<24x1024xf32, #tpu.memory_space<hbm>>
      %dma_wait3A_491 = arith.constant 0 : i32
      %dma_wait3A_492 = tpu.memref_slice %arg4[%add3A_485, %dma_wait3A_491] : memref<100000x1024xf32, #tpu.memory_space<hbm>> -> memref<24x1024xf32, #tpu.memory_space<hbm>>
      %dma_wait3A_493 = arith.constant 0 : i32
      %dma_wait3A_494 = arith.constant 0 : i32
      %dma_wait3A_495 = tpu.memref_slice %arg7[%dma_wait3A_493, %dma_wait3A_494] : memref<24x1024xf32, #tpu.memory_space<vmem>> -> memref<24x1024xf32, #tpu.memory_space<vmem>>
      tpu.wait_dma2 semaphore(%arg15 : memref<!tpu.dma_semaphore, #tpu.memory_space<semaphore_mem>>) src(%dma_wait3A_495 : memref<24x1024xf32, #tpu.memory_space<vmem>>) dst(%dma_wait3A_492 : memref<24x1024xf32, #tpu.memory_space<hbm>>)
      %mul3A_496 = arith.constant 24 : i32
      %mul3A_497 = arith.muli %add3A_460, %mul3A_496 : i32
      %dma_start3A_498 = arith.constant 0 : i32
      %dma_start3A_499 = arith.constant 0 : i32
      %dma_start3A_500 = tpu.memref_slice %arg7[%dma_start3A_498, %dma_start3A_499] : memref<24x1024xf32, #tpu.memory_space<vmem>> -> memref<24x1024xf32, #tpu.memory_space<vmem>>
      %dma_start3A_501 = tpu.memref_slice %arg5[%mul3A_497] : memref<3128xi32, #tpu.memory_space<vmem>> -> memref<24xi32, #tpu.memory_space<vmem>>
      %dma_start3A_502 = arith.constant 0 : i32
      %dma_start3A_503 = arith.constant 0 : i32
      %dma_start3A_504 = tpu.memref_slice %arg2[%dma_start3A_502, %dma_start3A_503] : memref<1000x1024xf32, #tpu.memory_space<hbm>> -> memref<1000x1024xf32, #tpu.memory_space<hbm>>
      tpu.enqueue_indirect_dma source(%dma_start3A_504 : memref<1000x1024xf32, #tpu.memory_space<hbm>>) target(%dma_start3A_500 : memref<24x1024xf32, #tpu.memory_space<vmem>>) offsets(%dma_start3A_501 : memref<24xi32, #tpu.memory_space<vmem>>) semaphore(%arg11 : memref<!tpu.dma_semaphore, #tpu.memory_space<semaphore_mem>>)
    }
    %scan3A_158 = arith.constant 31 : i32
    %dma_wait3A_159 = arith.constant 0 : i32
    %dma_wait3A_160 = arith.constant 0 : i32
    %dma_wait3A_161 = tpu.memref_slice %arg6[%dma_wait3A_159, %dma_wait3A_160] : memref<24x1024xf32, #tpu.memory_space<vmem>> -> memref<24x1024xf32, #tpu.memory_space<vmem>>
    %dma_wait3A_162 = arith.constant 3072 : i32
    %dma_wait3A_163 = tpu.memref_slice %arg5[%dma_wait3A_162] : memref<3128xi32, #tpu.memory_space<vmem>> -> memref<24xi32, #tpu.memory_space<vmem>>
    %dma_wait3A_164 = arith.constant 0 : i32
    %dma_wait3A_165 = arith.constant 0 : i32
    %dma_wait3A_166 = tpu.memref_slice %arg2[%dma_wait3A_164, %dma_wait3A_165] : memref<1000x1024xf32, #tpu.memory_space<hbm>> -> memref<1000x1024xf32, #tpu.memory_space<hbm>>
    tpu.wait_indirect_dma semaphore(%arg10 : memref<!tpu.dma_semaphore, #tpu.memory_space<semaphore_mem>>) src(%dma_wait3A_166 : memref<1000x1024xf32, #tpu.memory_space<hbm>>) dst(%dma_wait3A_161 : memref<24x1024xf32, #tpu.memory_space<vmem>>)
    %add3A_167 = arith.constant 3072 : i32
    %add3A_168 = arith.addi %select_n3A, %add3A_167 : i32
    %dma_start3A_169 = arith.constant 0 : i32
    %dma_start3A_170 = arith.constant 0 : i32
    %dma_start3A_171 = tpu.memref_slice %arg6[%dma_start3A_169, %dma_start3A_170] : memref<24x1024xf32, #tpu.memory_space<vmem>> -> memref<24x1024xf32, #tpu.memory_space<vmem>>
    %dma_start3A_172 = arith.constant 0 : i32
    %dma_start3A_173 = tpu.memref_slice %arg4[%add3A_168, %dma_start3A_172] : memref<100000x1024xf32, #tpu.memory_space<hbm>> -> memref<24x1024xf32, #tpu.memory_space<hbm>>
    %dma_start3A_174 = arith.constant 0 : i32
    %dma_start3A_175 = tpu.memref_slice %arg4[%add3A_168, %dma_start3A_174] : memref<100000x1024xf32, #tpu.memory_space<hbm>> -> memref<24x1024xf32, #tpu.memory_space<hbm>>
    %dma_start3A_176 = arith.constant 0 : i32
    %dma_start3A_177 = arith.constant 0 : i32
    %dma_start3A_178 = tpu.memref_slice %arg6[%dma_start3A_176, %dma_start3A_177] : memref<24x1024xf32, #tpu.memory_space<vmem>> -> memref<24x1024xf32, #tpu.memory_space<vmem>>
    tpu.enqueue_dma source(%dma_start3A_178 : memref<24x1024xf32, #tpu.memory_space<vmem>>) target(%dma_start3A_175 : memref<24x1024xf32, #tpu.memory_space<hbm>>) target_semaphore(%arg14 : memref<!tpu.dma_semaphore, #tpu.memory_space<semaphore_mem>>)
    %add3A_179 = arith.constant 3024 : i32
    %add3A_180 = arith.addi %select_n3A, %add3A_179 : i32
    %dma_wait3A_181 = arith.constant 0 : i32
    %dma_wait3A_182 = arith.constant 0 : i32
    %dma_wait3A_183 = tpu.memref_slice %arg8[%dma_wait3A_181, %dma_wait3A_182] : memref<24x1024xf32, #tpu.memory_space<vmem>> -> memref<24x1024xf32, #tpu.memory_space<vmem>>
    %dma_wait3A_184 = arith.constant 0 : i32
    %dma_wait3A_185 = tpu.memref_slice %arg4[%add3A_180, %dma_wait3A_184] : memref<100000x1024xf32, #tpu.memory_space<hbm>> -> memref<24x1024xf32, #tpu.memory_space<hbm>>
    %dma_wait3A_186 = arith.constant 0 : i32
    %dma_wait3A_187 = tpu.memref_slice %arg4[%add3A_180, %dma_wait3A_186] : memref<100000x1024xf32, #tpu.memory_space<hbm>> -> memref<24x1024xf32, #tpu.memory_space<hbm>>
    %dma_wait3A_188 = arith.constant 0 : i32
    %dma_wait3A_189 = arith.constant 0 : i32
    %dma_wait3A_190 = tpu.memref_slice %arg8[%dma_wait3A_188, %dma_wait3A_189] : memref<24x1024xf32, #tpu.memory_space<vmem>> -> memref<24x1024xf32, #tpu.memory_space<vmem>>
    tpu.wait_dma2 semaphore(%arg16 : memref<!tpu.dma_semaphore, #tpu.memory_space<semaphore_mem>>) src(%dma_wait3A_190 : memref<24x1024xf32, #tpu.memory_space<vmem>>) dst(%dma_wait3A_187 : memref<24x1024xf32, #tpu.memory_space<hbm>>)
    %dma_start3A_191 = arith.constant 0 : i32
    %dma_start3A_192 = arith.constant 0 : i32
    %dma_start3A_193 = tpu.memref_slice %arg8[%dma_start3A_191, %dma_start3A_192] : memref<24x1024xf32, #tpu.memory_space<vmem>> -> memref<8x1024xf32, #tpu.memory_space<vmem>>
    %dma_start3A_194 = arith.constant 3120 : i32
    %dma_start3A_195 = tpu.memref_slice %arg5[%dma_start3A_194] : memref<3128xi32, #tpu.memory_space<vmem>> -> memref<8xi32, #tpu.memory_space<vmem>>
    %dma_start3A_196 = arith.constant 0 : i32
    %dma_start3A_197 = arith.constant 0 : i32
    %dma_start3A_198 = tpu.memref_slice %arg2[%dma_start3A_196, %dma_start3A_197] : memref<1000x1024xf32, #tpu.memory_space<hbm>> -> memref<1000x1024xf32, #tpu.memory_space<hbm>>
    tpu.enqueue_indirect_dma source(%dma_start3A_198 : memref<1000x1024xf32, #tpu.memory_space<hbm>>) target(%dma_start3A_193 : memref<8x1024xf32, #tpu.memory_space<vmem>>) offsets(%dma_start3A_195 : memref<8xi32, #tpu.memory_space<vmem>>) semaphore(%arg12 : memref<!tpu.dma_semaphore, #tpu.memory_space<semaphore_mem>>)
    %dma_wait3A_199 = arith.constant 0 : i32
    %dma_wait3A_200 = arith.constant 0 : i32
    %dma_wait3A_201 = tpu.memref_slice %arg7[%dma_wait3A_199, %dma_wait3A_200] : memref<24x1024xf32, #tpu.memory_space<vmem>> -> memref<24x1024xf32, #tpu.memory_space<vmem>>
    %dma_wait3A_202 = arith.constant 3096 : i32
    %dma_wait3A_203 = tpu.memref_slice %arg5[%dma_wait3A_202] : memref<3128xi32, #tpu.memory_space<vmem>> -> memref<24xi32, #tpu.memory_space<vmem>>
    %dma_wait3A_204 = arith.constant 0 : i32
    %dma_wait3A_205 = arith.constant 0 : i32
    %dma_wait3A_206 = tpu.memref_slice %arg2[%dma_wait3A_204, %dma_wait3A_205] : memref<1000x1024xf32, #tpu.memory_space<hbm>> -> memref<1000x1024xf32, #tpu.memory_space<hbm>>
    tpu.wait_indirect_dma semaphore(%arg11 : memref<!tpu.dma_semaphore, #tpu.memory_space<semaphore_mem>>) src(%dma_wait3A_206 : memref<1000x1024xf32, #tpu.memory_space<hbm>>) dst(%dma_wait3A_201 : memref<24x1024xf32, #tpu.memory_space<vmem>>)
    %add3A_207 = arith.constant 3096 : i32
    %add3A_208 = arith.addi %select_n3A, %add3A_207 : i32
    %dma_start3A_209 = arith.constant 0 : i32
    %dma_start3A_210 = arith.constant 0 : i32
    %dma_start3A_211 = tpu.memref_slice %arg7[%dma_start3A_209, %dma_start3A_210] : memref<24x1024xf32, #tpu.memory_space<vmem>> -> memref<24x1024xf32, #tpu.memory_space<vmem>>
    %dma_start3A_212 = arith.constant 0 : i32
    %dma_start3A_213 = tpu.memref_slice %arg4[%add3A_208, %dma_start3A_212] : memref<100000x1024xf32, #tpu.memory_space<hbm>> -> memref<24x1024xf32, #tpu.memory_space<hbm>>
    %dma_start3A_214 = arith.constant 0 : i32
    %dma_start3A_215 = tpu.memref_slice %arg4[%add3A_208, %dma_start3A_214] : memref<100000x1024xf32, #tpu.memory_space<hbm>> -> memref<24x1024xf32, #tpu.memory_space<hbm>>
    %dma_start3A_216 = arith.constant 0 : i32
    %dma_start3A_217 = arith.constant 0 : i32
    %dma_start3A_218 = tpu.memref_slice %arg7[%dma_start3A_216, %dma_start3A_217] : memref<24x1024xf32, #tpu.memory_space<vmem>> -> memref<24x1024xf32, #tpu.memory_space<vmem>>
    tpu.enqueue_dma source(%dma_start3A_218 : memref<24x1024xf32, #tpu.memory_space<vmem>>) target(%dma_start3A_215 : memref<24x1024xf32, #tpu.memory_space<hbm>>) target_semaphore(%arg15 : memref<!tpu.dma_semaphore, #tpu.memory_space<semaphore_mem>>)
    %dma_wait3A_219 = arith.constant 0 : i32
    %dma_wait3A_220 = arith.constant 0 : i32
    %dma_wait3A_221 = tpu.memref_slice %arg8[%dma_wait3A_219, %dma_wait3A_220] : memref<24x1024xf32, #tpu.memory_space<vmem>> -> memref<8x1024xf32, #tpu.memory_space<vmem>>
    %dma_wait3A_222 = arith.constant 3120 : i32
    %dma_wait3A_223 = tpu.memref_slice %arg5[%dma_wait3A_222] : memref<3128xi32, #tpu.memory_space<vmem>> -> memref<8xi32, #tpu.memory_space<vmem>>
    %dma_wait3A_224 = arith.constant 0 : i32
    %dma_wait3A_225 = arith.constant 0 : i32
    %dma_wait3A_226 = tpu.memref_slice %arg2[%dma_wait3A_224, %dma_wait3A_225] : memref<1000x1024xf32, #tpu.memory_space<hbm>> -> memref<1000x1024xf32, #tpu.memory_space<hbm>>
    tpu.wait_indirect_dma semaphore(%arg12 : memref<!tpu.dma_semaphore, #tpu.memory_space<semaphore_mem>>) src(%dma_wait3A_226 : memref<1000x1024xf32, #tpu.memory_space<hbm>>) dst(%dma_wait3A_221 : memref<8x1024xf32, #tpu.memory_space<vmem>>)
    %add3A_227 = arith.constant 3120 : i32
    %add3A_228 = arith.addi %select_n3A, %add3A_227 : i32
    %dma_start3A_229 = arith.constant 0 : i32
    %dma_start3A_230 = arith.constant 0 : i32
    %dma_start3A_231 = tpu.memref_slice %arg8[%dma_start3A_229, %dma_start3A_230] : memref<24x1024xf32, #tpu.memory_space<vmem>> -> memref<8x1024xf32, #tpu.memory_space<vmem>>
    %dma_start3A_232 = arith.constant 0 : i32
    %dma_start3A_233 = tpu.memref_slice %arg4[%add3A_228, %dma_start3A_232] : memref<100000x1024xf32, #tpu.memory_space<hbm>> -> memref<8x1024xf32, #tpu.memory_space<hbm>>
    %dma_start3A_234 = arith.constant 0 : i32
    %dma_start3A_235 = tpu.memref_slice %arg4[%add3A_228, %dma_start3A_234] : memref<100000x1024xf32, #tpu.memory_space<hbm>> -> memref<8x1024xf32, #tpu.memory_space<hbm>>
    %dma_start3A_236 = arith.constant 0 : i32
    %dma_start3A_237 = arith.constant 0 : i32
    %dma_start3A_238 = tpu.memref_slice %arg8[%dma_start3A_236, %dma_start3A_237] : memref<24x1024xf32, #tpu.memory_space<vmem>> -> memref<8x1024xf32, #tpu.memory_space<vmem>>
    tpu.enqueue_dma source(%dma_start3A_238 : memref<8x1024xf32, #tpu.memory_space<vmem>>) target(%dma_start3A_235 : memref<8x1024xf32, #tpu.memory_space<hbm>>) target_semaphore(%arg16 : memref<!tpu.dma_semaphore, #tpu.memory_space<semaphore_mem>>)
    %add3A_239 = arith.constant 3048 : i32
    %add3A_240 = arith.addi %select_n3A, %add3A_239 : i32
    %dma_wait3A_241 = arith.constant 0 : i32
    %dma_wait3A_242 = arith.constant 0 : i32
    %dma_wait3A_243 = tpu.memref_slice %arg9[%dma_wait3A_241, %dma_wait3A_242] : memref<24x1024xf32, #tpu.memory_space<vmem>> -> memref<24x1024xf32, #tpu.memory_space<vmem>>
    %dma_wait3A_244 = arith.constant 0 : i32
    %dma_wait3A_245 = tpu.memref_slice %arg4[%add3A_240, %dma_wait3A_244] : memref<100000x1024xf32, #tpu.memory_space<hbm>> -> memref<24x1024xf32, #tpu.memory_space<hbm>>
    %dma_wait3A_246 = arith.constant 0 : i32
    %dma_wait3A_247 = tpu.memref_slice %arg4[%add3A_240, %dma_wait3A_246] : memref<100000x1024xf32, #tpu.memory_space<hbm>> -> memref<24x1024xf32, #tpu.memory_space<hbm>>
    %dma_wait3A_248 = arith.constant 0 : i32
    %dma_wait3A_249 = arith.constant 0 : i32
    %dma_wait3A_250 = tpu.memref_slice %arg9[%dma_wait3A_248, %dma_wait3A_249] : memref<24x1024xf32, #tpu.memory_space<vmem>> -> memref<24x1024xf32, #tpu.memory_space<vmem>>
    tpu.wait_dma2 semaphore(%arg17 : memref<!tpu.dma_semaphore, #tpu.memory_space<semaphore_mem>>) src(%dma_wait3A_250 : memref<24x1024xf32, #tpu.memory_space<vmem>>) dst(%dma_wait3A_247 : memref<24x1024xf32, #tpu.memory_space<hbm>>)
    %add3A_251 = arith.constant 3072 : i32
    %add3A_252 = arith.addi %select_n3A, %add3A_251 : i32
    %dma_wait3A_253 = arith.constant 0 : i32
    %dma_wait3A_254 = arith.constant 0 : i32
    %dma_wait3A_255 = tpu.memref_slice %arg6[%dma_wait3A_253, %dma_wait3A_254] : memref<24x1024xf32, #tpu.memory_space<vmem>> -> memref<24x1024xf32, #tpu.memory_space<vmem>>
    %dma_wait3A_256 = arith.constant 0 : i32
    %dma_wait3A_257 = tpu.memref_slice %arg4[%add3A_252, %dma_wait3A_256] : memref<100000x1024xf32, #tpu.memory_space<hbm>> -> memref<24x1024xf32, #tpu.memory_space<hbm>>
    %dma_wait3A_258 = arith.constant 0 : i32
    %dma_wait3A_259 = tpu.memref_slice %arg4[%add3A_252, %dma_wait3A_258] : memref<100000x1024xf32, #tpu.memory_space<hbm>> -> memref<24x1024xf32, #tpu.memory_space<hbm>>
    %dma_wait3A_260 = arith.constant 0 : i32
    %dma_wait3A_261 = arith.constant 0 : i32
    %dma_wait3A_262 = tpu.memref_slice %arg6[%dma_wait3A_260, %dma_wait3A_261] : memref<24x1024xf32, #tpu.memory_space<vmem>> -> memref<24x1024xf32, #tpu.memory_space<vmem>>
    tpu.wait_dma2 semaphore(%arg14 : memref<!tpu.dma_semaphore, #tpu.memory_space<semaphore_mem>>) src(%dma_wait3A_262 : memref<24x1024xf32, #tpu.memory_space<vmem>>) dst(%dma_wait3A_259 : memref<24x1024xf32, #tpu.memory_space<hbm>>)
    %add3A_263 = arith.constant 3096 : i32
    %add3A_264 = arith.addi %select_n3A, %add3A_263 : i32
    %dma_wait3A_265 = arith.constant 0 : i32
    %dma_wait3A_266 = arith.constant 0 : i32
    %dma_wait3A_267 = tpu.memref_slice %arg7[%dma_wait3A_265, %dma_wait3A_266] : memref<24x1024xf32, #tpu.memory_space<vmem>> -> memref<24x1024xf32, #tpu.memory_space<vmem>>
    %dma_wait3A_268 = arith.constant 0 : i32
    %dma_wait3A_269 = tpu.memref_slice %arg4[%add3A_264, %dma_wait3A_268] : memref<100000x1024xf32, #tpu.memory_space<hbm>> -> memref<24x1024xf32, #tpu.memory_space<hbm>>
    %dma_wait3A_270 = arith.constant 0 : i32
    %dma_wait3A_271 = tpu.memref_slice %arg4[%add3A_264, %dma_wait3A_270] : memref<100000x1024xf32, #tpu.memory_space<hbm>> -> memref<24x1024xf32, #tpu.memory_space<hbm>>
    %dma_wait3A_272 = arith.constant 0 : i32
    %dma_wait3A_273 = arith.constant 0 : i32
    %dma_wait3A_274 = tpu.memref_slice %arg7[%dma_wait3A_272, %dma_wait3A_273] : memref<24x1024xf32, #tpu.memory_space<vmem>> -> memref<24x1024xf32, #tpu.memory_space<vmem>>
    tpu.wait_dma2 semaphore(%arg15 : memref<!tpu.dma_semaphore, #tpu.memory_space<semaphore_mem>>) src(%dma_wait3A_274 : memref<24x1024xf32, #tpu.memory_space<vmem>>) dst(%dma_wait3A_271 : memref<24x1024xf32, #tpu.memory_space<hbm>>)
    %add3A_275 = arith.constant 3120 : i32
    %add3A_276 = arith.addi %select_n3A, %add3A_275 : i32
    %dma_wait3A_277 = arith.constant 0 : i32
    %dma_wait3A_278 = arith.constant 0 : i32
    %dma_wait3A_279 = tpu.memref_slice %arg8[%dma_wait3A_277, %dma_wait3A_278] : memref<24x1024xf32, #tpu.memory_space<vmem>> -> memref<8x1024xf32, #tpu.memory_space<vmem>>
    %dma_wait3A_280 = arith.constant 0 : i32
    %dma_wait3A_281 = tpu.memref_slice %arg4[%add3A_276, %dma_wait3A_280] : memref<100000x1024xf32, #tpu.memory_space<hbm>> -> memref<8x1024xf32, #tpu.memory_space<hbm>>
    %dma_wait3A_282 = arith.constant 0 : i32
    %dma_wait3A_283 = tpu.memref_slice %arg4[%add3A_276, %dma_wait3A_282] : memref<100000x1024xf32, #tpu.memory_space<hbm>> -> memref<8x1024xf32, #tpu.memory_space<hbm>>
    %dma_wait3A_284 = arith.constant 0 : i32
    %dma_wait3A_285 = arith.constant 0 : i32
    %dma_wait3A_286 = tpu.memref_slice %arg8[%dma_wait3A_284, %dma_wait3A_285] : memref<24x1024xf32, #tpu.memory_space<vmem>> -> memref<8x1024xf32, #tpu.memory_space<vmem>>
    tpu.wait_dma2 semaphore(%arg16 : memref<!tpu.dma_semaphore, #tpu.memory_space<semaphore_mem>>) src(%dma_wait3A_286 : memref<8x1024xf32, #tpu.memory_space<vmem>>) dst(%dma_wait3A_283 : memref<8x1024xf32, #tpu.memory_space<hbm>>)
    return
  }
}

</mosaic_0001>

<sc_bundles>
// kernel: kernel.3.cloned.1.call-start
scs
__scs_entry_jumppad:
0x0: {  	(pc) =	sbr.rel $0x88, $3  }
0x1: {  	(tag) =	ssettag $0x0;
	lr =	simm.s32 $0x1  }
0x2: {  	[smem:$0x3F9F] =	sst lr;
	_ =	strace $0xD0000000  }
0x3: {  	_ = 	snop  }
0x4: {  	_ = 	snop  }
0x5: {  	_ = 	snop  }
0x6: {  	_ = 	snop  }
0x7: {  	_ = 	snop  }
__scs_overlays_trampoline_lowered:
0x8: {  	[smem:$0x3FAE] =	sst s0  }
0x9: {  	[smem:$0x3FAF] =	sst s1  }
0xa: {  	[smem:$0x3FB0] =	sst s2  }
0xb: {  	[smem:$0x3FB1] =	sst s3  }
0xc: {  	[smem:$0x3FB2] =	sst s4  }
0xd: {  	[smem:$0x3FB3] =	sst s5  }
0xe: {  	[smem:$0x3FB4] =	sst s6  }
0xf: {  	[smem:$0x3FB5] =	sst s7  }
0x10: {  	[smem:$0x3FB6] =	sst s8  }
0x11: {  	[smem:$0x3FB7] =	sst s9;
	s0 =	simm.s32 @!p0 $0x0  }
0x12: {  	s1 =	sld [smem:$0x3F9D];
	s0 =	simm.s32 @p0 $0x1  }
0x13: {  	[smem:$0x3FB8] =	sst s0;
	s0 =	simm.s32 @!p1 $0x0  }
0x14: {  	s2 =	sld [smem:$0x3F9C];
	s0 =	simm.s32 @p1 $0x1  }
0x15: {  	[smem:$0x3FB9] =	sst s0;
	s0 =	simm.s32 @!p2 $0x0  }
0x16: {  	s3 =	sld [smem:$0x3FDB];
	s0 =	simm.s32 @p2 $0x1  }
0x17: {  	s4 =	simm.s32 $0x1BF5;
	[smem:$0x3FBB] =	sst s0  }
0x18: {  	s0 =	sld [smem:$0x3F9E];
	_ =	swait.ge [sflag:s4], $0x0  }
0x19: {  	s7 =	sld [smem:$0x3F9F]  }
0x1a: {  	s8 =	sadd.s32 $0xFFFFE003, lr  }
0x1b: {  	s9 =	sadd.s32 $0xFFFFFEF7, lr;
	s5 =	simm.s32 $0xFFFFFFFF;
	p2 =	slt.u32 s8, $0xFFFFF086  }
0x1c: {  	p1 =	slt.u32 s9, $0xF7A;
	s5 =	simm.s32 @!p2 $0x0  }
0x1d: {  	s5 =	simm.s32 @p1 $0x1;
	p0 =	seq.s32 s7, s2  }
0x1e: {  	s7 =	smul.u32 @!p0 $0xF7A, s2;
	p2 =	seq.s32 @!p0 s5, $0x0  }
0x1f: {  	s9 =	smul.u32 $0xF7A, s1;
	s8 =	simm.s32 @!p0 $0x1BF5;
	p2 =	por !p2, p0  }
0x20: {  	[sflag:s8] =	ssyncset.s32 @!p0 $0xFFFFF086;
	s6 =	sadd.s32 @!p0 s3, s7;
	s7 =	simm.s32 @!p0 $0x108  }
0x21: {  	s3 =	sadd.s32 s3, s9;
	s6 =	sadd.s32 @!p0 $0x88, s6;
	s7 =	simm.s32 @p2 $0x1082  }
0x22: {  	[simem:s7], [sflag:s8] =	dma.local @!p0 [hbm:s6], $0xF7A  }
0x23: {  	s9 =	sor.u32 $0xD0000000, s2;
	s6 =	simm.s32 $0x108;
	_ =	swait.ge @!p0 [sflag:s8], $0x0  }
0x24: {  	s3 =	sadd.s32 $0x88, s3;
	s6 =	simm.s32 @!p1 $0x1082;
	[sflag:s4] =	ssyncset.s32 $0xFFFFF086  }
0x25: {  	[simem:s6], [sflag:s4] =	dma.local [hbm:s3], $0xF7A  }
0x26: {  	[smem:$0x3F9F] =	sst s1;
	(tag) =	ssettag s2;
	_ =	strace s9  }
0x27: {  	s1 =	sld [smem:$0x3FAF]  }
0x28: {  	s2 =	sld [smem:$0x3FB0]  }
0x29: {  	s4 =	sld [smem:$0x3FB2]  }
0x2a: {  	p0 =	seq.s32 s5, $0x0;
	s5 =	sld [smem:$0x3FB3]  }
0x2b: {  	s6 =	sld [smem:$0x3FB4]  }
0x2c: {  	s7 =	sld [smem:$0x3FB5]  }
0x2d: {  	s3 =	simm.s32 $0x108;
	s8 =	sld [smem:$0x3FB6]  }
0x2e: {  	s3 =	simm.s32 @!p0 $0x1082;
	s9 =	sld [smem:$0x3FB7]  }
0x2f: {  	lr =	sadd.s32 s0, s3;
	s0 =	sld [smem:$0x3FAE]  }
0x30: {  	s3 =	sld [smem:$0x3FB1]  }
0x31: {  	[smem:$0x3FBA] =	sst s10  }
0x32: {  	s10 =	sld [smem:$0x3FB8];
	_ =	sdelay $0x3  }
0x33: {  	p0 =	seq.s32 s10, $0x1;
	s10 =	sld [smem:$0x3FBA];
	_ =	sdelay $0x3  }
0x34: {  	[smem:$0x3FBA] =	sst s10  }
0x35: {  	s10 =	sld [smem:$0x3FB9];
	_ =	sdelay $0x3  }
0x36: {  	p1 =	seq.s32 s10, $0x1;
	s10 =	sld [smem:$0x3FBA];
	_ =	sdelay $0x3  }
0x37: {  	[smem:$0x3FBA] =	sst s10  }
0x38: {  	s10 =	sld [smem:$0x3FBB]  }
0x39: {  	_ = 	snop;
	(pc) =	sbr.ind lr, $3  }
0x3a: {  	_ = 	snop  }
0x3b: {  	_ = 	snop  }
0x3c: {  	p2 =	seq.s32 s10, $0x1;
	s10 =	sld [smem:$0x3FBA]  }
0x3d: {  	_ =	shalt  }
0x3e: {  	_ =	shalt  }
0x3f: {  	_ =	shalt  }
0x40: {  	_ =	shalt  }
0x41: {  	_ =	shalt  }
0x42: {  	_ =	shalt  }
0x43: {  	_ =	shalt  }
0x44: {  	_ =	shalt  }
0x45: {  	_ =	shalt  }
0x46: {  	_ =	shalt  }
0x47: {  	_ =	shalt  }
0x48: {  	_ =	shalt  }
0x49: {  	_ =	shalt  }
0x4a: {  	_ =	shalt  }
0x4b: {  	_ =	shalt  }
0x4c: {  	_ =	shalt  }
0x4d: {  	_ =	shalt  }
0x4e: {  	_ =	shalt  }
0x4f: {  	_ =	shalt  }
0x50: {  	_ =	shalt  }
0x51: {  	_ =	shalt  }
0x52: {  	_ =	shalt  }
0x53: {  	_ =	shalt  }
0x54: {  	_ =	shalt  }
0x55: {  	_ =	shalt  }
0x56: {  	_ =	shalt  }
0x57: {  	_ =	shalt  }
0x58: {  	_ =	shalt  }
0x59: {  	_ =	shalt  }
0x5a: {  	_ =	shalt  }
0x5b: {  	_ =	shalt  }
0x5c: {  	_ =	shalt  }
0x5d: {  	_ =	shalt  }
0x5e: {  	_ =	shalt  }
0x5f: {  	_ =	shalt  }
0x60: {  	_ =	shalt  }
0x61: {  	_ =	shalt  }
0x62: {  	_ =	shalt  }
0x63: {  	_ =	shalt  }
0x64: {  	_ =	shalt  }
0x65: {  	_ =	shalt  }
0x66: {  	_ =	shalt  }
0x67: {  	_ =	shalt  }
0x68: {  	_ =	shalt  }
0x69: {  	_ =	shalt  }
0x6a: {  	_ =	shalt  }
0x6b: {  	_ =	shalt  }
0x6c: {  	_ =	shalt  }
0x6d: {  	_ =	shalt  }
0x6e: {  	_ =	shalt  }
0x6f: {  	_ =	shalt  }
0x70: {  	_ =	shalt  }
0x71: {  	_ =	shalt  }
0x72: {  	_ =	shalt  }
0x73: {  	_ =	shalt  }
0x74: {  	_ =	shalt  }
0x75: {  	_ =	shalt  }
0x76: {  	_ =	shalt  }
0x77: {  	_ =	shalt  }
0x78: {  	_ =	shalt  }
0x79: {  	_ =	shalt  }
0x7a: {  	_ =	shalt  }
0x7b: {  	_ =	shalt  }
0x7c: {  	_ =	shalt  }
0x7d: {  	_ =	shalt  }
0x7e: {  	_ =	shalt  }
0x7f: {  	_ =	shalt  }
0x80: {  	_ =	shalt  }
0x81: {  	_ =	shalt  }
0x82: {  	_ =	shalt  }
0x83: {  	_ =	shalt  }
0x84: {  	_ =	shalt  }
0x85: {  	_ =	shalt  }
0x86: {  	_ =	shalt  }
0x87: {  	_ =	shalt  }
.Lfunc_end0:
.L_simem_size_0:
called_computation_lowered:
.L_overlay_start_0:
0x88: {  	s2 =	sld [smem:$0x3FD9]  }
0x89: {  	s3 =	sld [smem:$0x3FFE];
	_ =	sdelay $0x1  }
0x8a: {  	s1 =	srdreg.scid  }
0x8b: {  	s0 =	sand.u32 $0x1, s1  }
0x8c: {  	s18 =	sshll.u32 s0, $0xA;
	s2 =	sadd.s32 s3, s2  }
0x8d: {  	s2 =	sadd.s32 s2, s18  }
0x8e: {  	[smem:$0x3FC6] =	sst s2  }
0x8f: {  	_ = 	snop  }
0x90: {  	s2 =	sld [smem:$0x3FC9]  }
0x91: {  	s19 =	sld [smem:$0x3FC8]  }
0x92: {  	s4 =	sld [smem:$0x3FD0];
	(tm) =	ssettm $0x1  }
0x93: {  	s5 =	sld [smem:$0x3FFB];
	_ =	sdelay $0x3  }
0x94: {  	_ =	strace s5  }
0x95: {  	s5 =	sld [smem:$0x3FFC];
	_ =	sdelay $0x3  }
0x96: {  	_ =	strace s5  }
0x97: {  	s5 =	sld [smem:$0x3FFD];
	_ =	sdelay $0x3  }
0x98: {  	_ =	strace s5  }
0x99: {  	_ =	strace $0x8FFFFFFF  }
0x9a: {  	s20 =	sld [smem:$0x3FDB];
	_ =	sdelay $0x1  }
0x9b: {  	s6 =	simm.s32 $_scs_section_size  }
0x9c: {  	s7 =	simm.s32 $_size__tile_overlayer_lowered;
	s8 =	simm.s32 $_tile_overlayer_lowered  }
0x9d: {  	s23 =	simm.s32 $0x1BFF;
	s22 =	sshll.u32 s8, $0x1;
	s5 =	sadd.s32 s6, s20  }
0x9e: {  	s9 =	simm.s32 $0x0;
	s21 =	sshll.u32 s7, $0x1;
	s7 =	sadd.s32 s22, s5  }
0x9f: {  	[timem:s9], [sflag:s23] =	dma.local [hbm:s7], s21  }
0xa0: {  	_ =	swait.ge [sflag:s23], s21  }
0xa1: {  	s6 =	ssub.s32 $0x0, s21;
	[sflag:s23] =	ssyncset.done $0x0  }
0xa2: {  	[sflag:s23] =	ssyncadd.s32 s6;
	_ =	sdelay $0x1  }
0xa3: {  	s24 =	simm.s32 $0x1B8B  }
0xa4: {  	_ =	swait.ge [sflag:s24], $0x1  }
0xa5: {  	[sflag:s24] =	ssyncset.done $0x0  }
0xa6: {  	s25 =	simm.s32 $0x1B8E;
	[sflag:s24] =	ssyncadd.s32 $0xFFFFFFFF  }
0xa7: {  	s26 =	simm.s32 $execute0_lowered;
	[smem:$0x3FD2] =	sst s25  }
0xa8: {  	s6 =	sshll.u32 s26, $0x1;
	_ =	strace $0x80000046;
	[dreg:$0x1] =	wrdreg $0xFFFFFFFF  }
0xa9: {  	s28 =	simm.s32 $_size_execute0_lowered;
	s5 =	sadd.s32 s5, s6;
	[dreg:$0x0] =	wrdreg $0x0  }
0xaa: {  	s6 =	sshll.u32 s28, $0x1;
	[dreg:$0x2] =	wrdreg s5  }
0xab: {  	[dreg:$0x3] =	wrdreg s6  }
0xac: {  	[dreg:$0x4] =	wrdreg $0xC0  }
0xad: {  	_ =	task [dreg:s9], $0x5FFFF  }
0xae: {  	[dreg:$0x1] =	wrdreg $0xFFFFFFFF  }
0xaf: {  	[dreg:$0x0] =	wrdreg $0x60  }
0xb0: {  	[dreg:$0x2] =	wrdreg s2  }
0xb1: {  	[dreg:$0x3] =	wrdreg s19  }
0xb2: {  	[dreg:$0x4] =	wrdreg s4  }
0xb3: {  	[dreg:$0x5] =	wrdreg $0x9  }
0xb4: {  	_ =	task.clear_ibuf [dreg:s9], $0x6FFFF;
	_ =	strace $0x90000046  }
0xb5: {  	s29 =	simm.s32 $0x9;
	_ =	strace $0x80000048  }
0xb6: {  	_ =	swait.ge [sflag:s29], $0x1  }
0xb7: {  	[sflag:s29] =	ssyncadd.s32 $0xFFFFFFFF  }
0xb8: {  	_ =	strace $0x90000048  }
0xb9: {  	_ =	sfence  }
0xba: {  	s30 =	sld [smem:$0x0];
	_ =	sdelay $0x2  }
0xbb: {  	s31 =	sshll.u32 s1, $0xD;
	s1 =	sshrl.u32 s1, $0x2  }
0xbc: {  	s3 =	sand.u32 $0x4000, s31;
	s1 =	sadd.s32 s1, s30  }
0xbd: {  	s0 =	sor.u32 s3, s0;
	s1 =	sshll.u32 s1, $0x11  }
0xbe: {  	s0 =	sor.u32 s1, s0  }
0xbf: {  	s0 =	sadd.s32 $0x8F2B, s0  }
0xc0: {  	[sflag:s0] =	ssyncadd.remote.s32 $0x1  }
0xc1: {  	_ =	sfence.sel $0xFFFF  }
0xc2: {  	[dreg:$0x0] =	wrdreg $0xFFFFFFFF;
	(pc) =	sbr.abs _section_cstart, $3  }
0xc3: {  	[dreg:$0x1] =	wrdreg $0xFFFFFFFF  }
0xc4: {  	_ =	task.clear_ibuf [dreg:s9], $0x2FFFF;
	_ =	strace $0x9FFFFFFF  }
0xc5: {  	(tm) =	ssettm $0x7FFFFFFF  }
tec
execute0_lowered:
.L_overlay_start_1:
0x0: {  	(tag) =	ssettag $0x1  }
0x1: {  	s1 =	rddreg [dreg:$0x0]  }
0x2: {  	s0 =	srdreg.scid;
	s4 =	rddreg [dreg:$0x1]  }
0x3: {  	s2 =	stileid.u32;
	s7 =	rddreg [dreg:$0x2]  }
0x4: {  	s3 =	simm.s32 $0x0;
	s9 =	simm.s32 $0x2C80;
	s17 =	simm.s32 $0x3C80  }
0x5: {  	s11 =	simm.s32 $0x4C80;
	s12 =	simm.s32 $0x5C80;
	s18 =	simm.s32 $0x7480  }
0x6: {  	s30 =	simm.s32 $0x7C80;
	s28 =	simm.s32 $0x8480;
	s16 =	simm.s32 $0x1  }
0x7: {  	s10 =	simm.s32 $0x12480;
	s0 =	sand.u32 $0x1, s0;
	s2 =	sshll.u32 s2, $0x1  }
0x8: {  	s13 =	simm.s32 $0x3;
	s29 =	simm.s32 $0x5;
	s2 =	sor.u32 s0, s2  }
0x9: {  	s14 =	simm.s32 $0x4;
	s0 =	ssub.s32 $0x2, s0;
	s5 =	smul.u32 $0xC38, s2  }
0xa: {  	s31 =	simm.s32 $0x6;
	p0 =	seq.s32 s2, $0x1F;
	s19 =	sshrl.u32 s0, $0x1  }
0xb: {  	[smem:$0x7FF] =	sst s3;
	s0 =	ssub.s32 s0, s19;
	s5 =	simm.s32 @p0 $0x17A68  }
0xc: {  	_ =	strace $0x80000047;
	s0 =	smax.u32 s0, $0x1;
	s6 =	sshrl.u32 s5, $0x3  }
0xd: {  	s21 =	sshll.u32 s5, $0x7;
	[dreg:$0xb] =	wrdreg s0;
	s20 =	sadd.s32 s4, s6  }
0xe: {  	s7 =	sadd.s32 s7, s21;
	s4 =	simm.s32 $0x0;
	[dreg:$0x4] =	wrdreg s20  }
0xf: {  	s15 =	simm.s32 $0x7;
	s2 =	sadd.s32 $0xC00, s7;
	[dreg:$0xc] =	wrdreg s4  }
0x10: {  	s8 =	sadd.s32 $0x300, s1;
	s22 =	sadd.s32 $0x1800, s7;
	[dreg:$0x5] =	wrdreg s2  }
0x11: {  	s19 =	simm.s32 $0x1C80;
	s23 =	sadd.s32 $0x2400, s7;
	[dreg:$0x6] =	wrdreg s22  }
0x12: {  	s5 =	sadd.s32 $0x100, s1;
	s24 =	sadd.s32 $0x60000, s7;
	[dreg:$0x7] =	wrdreg s23  }
0x13: {  	s0 =	simm.s32 $0xC480;
	s25 =	sadd.s32 $0x60C00, s7;
	[dreg:$0x8] =	wrdreg s24  }
0x14: {  	s6 =	sadd.s32 $0x200, s1;
	s26 =	sadd.s32 $0x61800, s7;
	[dreg:$0x9] =	wrdreg s25  }
0x15: {  	v2 =	vlaneseq.u32;
	s21 =	simm.s32 $0x3480;
	s20 =	simm.s32 $0x2480;
	[dreg:$0xa] =	wrdreg s26  }
0x16: {  	vm0 =	vmmov $0xffff;
	v1 =	vshrl.u32 v2, $0x3;
	s23 =	simm.s32 $0x1480;
	s24 =	simm.s32 $0x4480;
	s25 =	simm.s32 $0x5480  }
0x17: {  	v0 =	vand.u32 $0x7, v2;
	v2 =	vor.u32 $0x8, v2;
	v1 =	vmul.u32 $0x8, v1;
	s26 =	simm.s32 $0x6480;
	s2 =	simm.s32 $0x2;
	s22 =	simm.s32 $0x8  }
.LBB2_1:
0x18: {  	s4 =	rddreg [dreg:$0x4]  }
0x19: {  	[tilespmem:s3], [sflag:$0x9] =	stream.linear.gather [hbm4b:s4+s3], $0xC38, $0x38;
	[tilespmem:$0x18C80] =	vst v63  }
0x1a: {  	s4 =	simm.s32 $0x9  }
0x1b: {  	_ =	swait.ge [sflag:s4], $0xC38  }
0x1c: {  	[sflag:s4] =	ssyncset.done $0x0  }
0x1d: {  	[sflag:s4] =	ssyncadd.s32 $0xFFFFF3C8  }
0x1e: {  	v3 =	vld [tilespmem:$0x0];
	_ =	sdelay $0x4  }
0x1f: {  	v4 =	vshll.u32 v3, $0x3  }
0x20: {  	v3 =	vand.u32 $0x7, v3;
	v4 =	vand.u32 $0xFFFFFFC0, v4  }
0x21: {  	v3 =	vor.u32 v3, v4  }
0x22: {  	v4 =	vperm.xlane v3, v0;
	_ =	sdelay $0x1  }
0x23: {  	v4 =	vadd.s32 v1, v4;
	_ =	sdelay $0x3  }
0x24: {  	s4 =	simm.s32 $0xC80  }
0x25: {  	[tilespmem:s4], [sflag:$0x1] =	stream.indirect_vreg.gather [hbm4b:s1+s3], $0x80, v4, vm0, $0xb8;
	[tilespmem:$0x18C80] =	vst v63  }
0x26: {  	v3 =	vperm.xlane v3, v2  }
0x27: {  	[tilespmem:s23], [sflag:$0x1] =	stream.indirect_vreg.gather [hbm4b:s5+s3], $0x80, v4, vm0, $0xb8;
	[tilespmem:$0x18C80] =	vst v63  }
0x28: {  	v3 =	vadd.s32 v1, v3  }
0x29: {  	[tilespmem:s19], [sflag:$0x1] =	stream.indirect_vreg.gather [hbm4b:s6+s3], $0x80, v4, vm0, $0xb8;
	[tilespmem:$0x18C80] =	vst v63  }
0x2a: {  	_ = 	snop  }
0x2b: {  	[tilespmem:s20], [sflag:$0x1] =	stream.indirect_vreg.gather [hbm4b:s8+s3], $0x80, v4, vm0, $0xb8;
	[tilespmem:$0x18C80] =	vst v63  }
0x2c: {  	_ = 	snop  }
0x2d: {  	[tilespmem:s9], [sflag:$0x1] =	stream.indirect_vreg.gather [hbm4b:s1+s3], $0x80, v3, vm0, $0xb8;
	[tilespmem:$0x18C80] =	vst v63  }
0x2e: {  	_ = 	snop  }
0x2f: {  	[tilespmem:s21], [sflag:$0x1] =	stream.indirect_vreg.gather [hbm4b:s5+s3], $0x80, v3, vm0, $0xb8;
	[tilespmem:$0x18C80] =	vst v63  }
0x30: {  	_ = 	snop  }
0x31: {  	[tilespmem:s17], [sflag:$0x1] =	stream.indirect_vreg.gather [hbm4b:s6+s3], $0x80, v3, vm0, $0xb8;
	[tilespmem:$0x18C80] =	vst v63  }
0x32: {  	_ = 	snop  }
0x33: {  	[tilespmem:s24], [sflag:$0x1] =	stream.indirect_vreg.gather [hbm4b:s8+s3], $0x80, v3, vm0, $0xb8;
	[tilespmem:$0x18C80] =	vst v63  }
0x34: {  	v3 =	vld.msk [tilespmem:$0x10], $0xff;
	_ =	sdelay $0x4  }
0x35: {  	v53 =	vshll.u32 v3, $0x3  }
0x36: {  	v3 =	vand.u32 $0x7, v3;
	v4 =	vand.u32 $0xFFFFFFC0, v53  }
0x37: {  	v3 =	vor.u32 v3, v4  }
0x38: {  	v3 =	vperm.xlane v3, v0;
	_ =	sdelay $0x1  }
0x39: {  	v3 =	vadd.s32 v1, v3;
	_ =	sdelay $0x4  }
0x3a: {  	[tilespmem:s11], [sflag:$0x1] =	stream.indirect_vreg.gather [hbm4b:s1+s3], $0x80, v3, vm0, $0xb8;
	[tilespmem:$0x18C80] =	vst v63  }
0x3b: {  	_ = 	snop  }
0x3c: {  	[tilespmem:s25], [sflag:$0x1] =	stream.indirect_vreg.gather [hbm4b:s5+s3], $0x80, v3, vm0, $0xb8;
	[tilespmem:$0x18C80] =	vst v63  }
0x3d: {  	_ = 	snop  }
0x3e: {  	[tilespmem:s12], [sflag:$0x1] =	stream.indirect_vreg.gather [hbm4b:s6+s3], $0x80, v3, vm0, $0xb8;
	[tilespmem:$0x18C80] =	vst v63  }
0x3f: {  	_ = 	snop  }
0x40: {  	[tilespmem:s26], [sflag:$0x1] =	stream.indirect_vreg.gather [hbm4b:s8+s3], $0x80, v3, vm0, $0xb8;
	[tilespmem:$0x18C80] =	vst v63  }
0x41: {  	v3 =	vld [tilespmem:$0x18];
	_ =	sdelay $0x4  }
0x42: {  	v54 =	vshll.u32 v3, $0x3  }
0x43: {  	v3 =	vand.u32 $0x7, v3;
	v4 =	vand.u32 $0xFFFFFFC0, v54  }
0x44: {  	v3 =	vor.u32 v3, v4  }
0x45: {  	v4 =	vperm.xlane v3, v0;
	_ =	sdelay $0x1  }
0x46: {  	v4 =	vadd.s32 v1, v4;
	_ =	sdelay $0x3  }
0x47: {  	s4 =	simm.s32 $0x6C80  }
0x48: {  	[tilespmem:s4], [sflag:$0x2] =	stream.indirect_vreg.gather [hbm4b:s1+s3], $0x80, v4, vm0, $0xb8;
	[tilespmem:$0x18C80] =	vst v63  }
0x49: {  	v3 =	vperm.xlane v3, v2  }
0x4a: {  	[tilespmem:s18], [sflag:$0x2] =	stream.indirect_vreg.gather [hbm4b:s5+s3], $0x80, v4, vm0, $0xb8;
	[tilespmem:$0x18C80] =	vst v63  }
0x4b: {  	v3 =	vadd.s32 v1, v3  }
0x4c: {  	[tilespmem:s30], [sflag:$0x2] =	stream.indirect_vreg.gather [hbm4b:s6+s3], $0x80, v4, vm0, $0xb8;
	[tilespmem:$0x18C80] =	vst v63  }
0x4d: {  	_ = 	snop  }
0x4e: {  	[tilespmem:s28], [sflag:$0x2] =	stream.indirect_vreg.gather [hbm4b:s8+s3], $0x80, v4, vm0, $0xb8;
	[tilespmem:$0x18C80] =	vst v63  }
0x4f: {  	s4 =	simm.s32 $0x8C80  }
0x50: {  	[tilespmem:s4], [sflag:$0x2] =	stream.indirect_vreg.gather [hbm4b:s1+s3], $0x80, v3, vm0, $0xb8;
	[tilespmem:$0x18C80] =	vst v63  }
0x51: {  	s4 =	simm.s32 $0x9480  }
0x52: {  	[tilespmem:s4], [sflag:$0x2] =	stream.indirect_vreg.gather [hbm4b:s5+s3], $0x80, v3, vm0, $0xb8;
	[tilespmem:$0x18C80] =	vst v63  }
0x53: {  	s4 =	simm.s32 $0x9C80  }
0x54: {  	[tilespmem:s4], [sflag:$0x2] =	stream.indirect_vreg.gather [hbm4b:s6+s3], $0x80, v3, vm0, $0xb8;
	[tilespmem:$0x18C80] =	vst v63  }
0x55: {  	s4 =	simm.s32 $0xA480  }
0x56: {  	[tilespmem:s4], [sflag:$0x2] =	stream.indirect_vreg.gather [hbm4b:s8+s3], $0x80, v3, vm0, $0xb8;
	[tilespmem:$0x18C80] =	vst v63  }
0x57: {  	v3 =	vld.msk [tilespmem:$0x28], $0xff;
	_ =	sdelay $0x4  }
0x58: {  	v55 =	vshll.u32 v3, $0x3  }
0x59: {  	v3 =	vand.u32 $0x7, v3;
	v4 =	vand.u32 $0xFFFFFFC0, v55  }
0x5a: {  	v3 =	vor.u32 v3, v4  }
0x5b: {  	v3 =	vperm.xlane v3, v0;
	_ =	sdelay $0x1  }
0x5c: {  	v3 =	vadd.s32 v1, v3;
	_ =	sdelay $0x3  }
0x5d: {  	s4 =	simm.s32 $0xAC80  }
0x5e: {  	[tilespmem:s4], [sflag:$0x2] =	stream.indirect_vreg.gather [hbm4b:s1+s3], $0x80, v3, vm0, $0xb8;
	[tilespmem:$0x18C80] =	vst v63  }
0x5f: {  	s4 =	simm.s32 $0xB480  }
0x60: {  	[tilespmem:s4], [sflag:$0x2] =	stream.indirect_vreg.gather [hbm4b:s5+s3], $0x80, v3, vm0, $0xb8;
	[tilespmem:$0x18C80] =	vst v63  }
0x61: {  	s4 =	simm.s32 $0xBC80  }
0x62: {  	[tilespmem:s4], [sflag:$0x2] =	stream.indirect_vreg.gather [hbm4b:s6+s3], $0x80, v3, vm0, $0xb8;
	[tilespmem:$0x18C80] =	vst v63  }
0x63: {  	_ = 	snop  }
0x64: {  	[tilespmem:s0], [sflag:$0x2] =	stream.indirect_vreg.gather [hbm4b:s8+s3], $0x80, v3, vm0, $0xb8;
	[tilespmem:$0x18C80] =	vst v63  }
0x65: {  	_ =	swait.ge [sflag:s16], $0x6000  }
0x66: {  	[sflag:s16] =	ssyncset.done $0x0  }
0x67: {  	s4 =	simm.s32 $0xC80;
	[sflag:s16] =	ssyncadd.s32 $0xFFFFA000  }
0x68: {  	[hbm4b:s7+s3] =	stream.linear.scatter [tilespmem:s4], [sflag:$0x5], $0x6000, $0x38;
	[tilespmem:$0x18C80] =	vst v63  }
0x69: {  	v3 =	vld [tilespmem:$0x30];
	_ =	sdelay $0x4  }
0x6a: {  	v56 =	vshll.u32 v3, $0x3  }
0x6b: {  	v3 =	vand.u32 $0x7, v3;
	v4 =	vand.u32 $0xFFFFFFC0, v56  }
0x6c: {  	v3 =	vor.u32 v3, v4  }
0x6d: {  	v4 =	vperm.xlane v3, v0;
	_ =	sdelay $0x1  }
0x6e: {  	v4 =	vadd.s32 v1, v4;
	_ =	sdelay $0x3  }
0x6f: {  	s0 =	simm.s32 $0xCC80  }
0x70: {  	[tilespmem:s0], [sflag:$0x3] =	stream.indirect_vreg.gather [hbm4b:s1+s3], $0x80, v4, vm0, $0xb8;
	[tilespmem:$0x18C80] =	vst v63  }
0x71: {  	s4 =	simm.s32 $0xD480;
	v3 =	vperm.xlane v3, v2  }
0x72: {  	[tilespmem:s4], [sflag:$0x3] =	stream.indirect_vreg.gather [hbm4b:s5+s3], $0x80, v4, vm0, $0xb8;
	[tilespmem:$0x18C80] =	vst v63  }
0x73: {  	v3 =	vadd.s32 v1, v3;
	s4 =	simm.s32 $0xDC80  }
0x74: {  	[tilespmem:s4], [sflag:$0x3] =	stream.indirect_vreg.gather [hbm4b:s6+s3], $0x80, v4, vm0, $0xb8;
	[tilespmem:$0x18C80] =	vst v63  }
0x75: {  	s4 =	simm.s32 $0xE480  }
0x76: {  	[tilespmem:s4], [sflag:$0x3] =	stream.indirect_vreg.gather [hbm4b:s8+s3], $0x80, v4, vm0, $0xb8;
	[tilespmem:$0x18C80] =	vst v63  }
0x77: {  	s4 =	simm.s32 $0xEC80  }
0x78: {  	[tilespmem:s4], [sflag:$0x3] =	stream.indirect_vreg.gather [hbm4b:s1+s3], $0x80, v3, vm0, $0xb8;
	[tilespmem:$0x18C80] =	vst v63  }
0x79: {  	s4 =	simm.s32 $0xF480  }
0x7a: {  	[tilespmem:s4], [sflag:$0x3] =	stream.indirect_vreg.gather [hbm4b:s5+s3], $0x80, v3, vm0, $0xb8;
	[tilespmem:$0x18C80] =	vst v63  }
0x7b: {  	s4 =	simm.s32 $0xFC80  }
0x7c: {  	[tilespmem:s4], [sflag:$0x3] =	stream.indirect_vreg.gather [hbm4b:s6+s3], $0x80, v3, vm0, $0xb8;
	[tilespmem:$0x18C80] =	vst v63  }
0x7d: {  	s4 =	simm.s32 $0x10480  }
0x7e: {  	[tilespmem:s4], [sflag:$0x3] =	stream.indirect_vreg.gather [hbm4b:s8+s3], $0x80, v3, vm0, $0xb8;
	[tilespmem:$0x18C80] =	vst v63  }
0x7f: {  	v3 =	vld.msk [tilespmem:$0x40], $0xff;
	_ =	sdelay $0x4  }
0x80: {  	v57 =	vshll.u32 v3, $0x3  }
0x81: {  	v3 =	vand.u32 $0x7, v3;
	v4 =	vand.u32 $0xFFFFFFC0, v57  }
0x82: {  	v3 =	vor.u32 v3, v4  }
0x83: {  	v3 =	vperm.xlane v3, v0;
	_ =	sdelay $0x1  }
0x84: {  	v3 =	vadd.s32 v1, v3;
	_ =	sdelay $0x3  }
0x85: {  	s4 =	simm.s32 $0x10C80  }
0x86: {  	[tilespmem:s4], [sflag:$0x3] =	stream.indirect_vreg.gather [hbm4b:s1+s3], $0x80, v3, vm0, $0xb8;
	[tilespmem:$0x18C80] =	vst v63  }
0x87: {  	s4 =	simm.s32 $0x11480  }
0x88: {  	[tilespmem:s4], [sflag:$0x3] =	stream.indirect_vreg.gather [hbm4b:s5+s3], $0x80, v3, vm0, $0xb8;
	[tilespmem:$0x18C80] =	vst v63  }
0x89: {  	s4 =	simm.s32 $0x11C80  }
0x8a: {  	[tilespmem:s4], [sflag:$0x3] =	stream.indirect_vreg.gather [hbm4b:s6+s3], $0x80, v3, vm0, $0xb8;
	[tilespmem:$0x18C80] =	vst v63  }
0x8b: {  	_ = 	snop  }
0x8c: {  	[tilespmem:s10], [sflag:$0x3] =	stream.indirect_vreg.gather [hbm4b:s8+s3], $0x80, v3, vm0, $0xb8;
	[tilespmem:$0x18C80] =	vst v63  }
0x8d: {  	_ =	swait.ge [sflag:s2], $0x6000  }
0x8e: {  	[sflag:s2] =	ssyncset.done $0x0  }
0x8f: {  	s10 =	simm.s32 $0x6C80;
	s4 =	rddreg [dreg:$0x5];
	[sflag:s2] =	ssyncadd.s32 $0xFFFFA000  }
0x90: {  	[hbm4b:s4+s3] =	stream.linear.scatter [tilespmem:s10], [sflag:$0x6], $0x6000, $0x38;
	[tilespmem:$0x18C80] =	vst v63  }
0x91: {  	v3 =	vld [tilespmem:$0x48];
	_ =	sdelay $0x4  }
0x92: {  	v58 =	vshll.u32 v3, $0x3  }
0x93: {  	v3 =	vand.u32 $0x7, v3;
	v4 =	vand.u32 $0xFFFFFFC0, v58  }
0x94: {  	v3 =	vor.u32 v3, v4  }
0x95: {  	v4 =	vperm.xlane v3, v0;
	_ =	sdelay $0x1  }
0x96: {  	v4 =	vadd.s32 v1, v4;
	_ =	sdelay $0x3  }
0x97: {  	s10 =	simm.s32 $0x12C80  }
0x98: {  	[tilespmem:s10], [sflag:$0x4] =	stream.indirect_vreg.gather [hbm4b:s1+s3], $0x80, v4, vm0, $0xb8;
	[tilespmem:$0x18C80] =	vst v63  }
0x99: {  	s4 =	simm.s32 $0x13480;
	v3 =	vperm.xlane v3, v2  }
0x9a: {  	[tilespmem:s4], [sflag:$0x4] =	stream.indirect_vreg.gather [hbm4b:s5+s3], $0x80, v4, vm0, $0xb8;
	[tilespmem:$0x18C80] =	vst v63  }
0x9b: {  	v3 =	vadd.s32 v1, v3;
	s4 =	simm.s32 $0x13C80  }
0x9c: {  	[tilespmem:s4], [sflag:$0x4] =	stream.indirect_vreg.gather [hbm4b:s6+s3], $0x80, v4, vm0, $0xb8;
	[tilespmem:$0x18C80] =	vst v63  }
0x9d: {  	s4 =	simm.s32 $0x14480  }
0x9e: {  	[tilespmem:s4], [sflag:$0x4] =	stream.indirect_vreg.gather [hbm4b:s8+s3], $0x80, v4, vm0, $0xb8;
	[tilespmem:$0x18C80] =	vst v63  }
0x9f: {  	s4 =	simm.s32 $0x14C80  }
0xa0: {  	[tilespmem:s4], [sflag:$0x4] =	stream.indirect_vreg.gather [hbm4b:s1+s3], $0x80, v3, vm0, $0xb8;
	[tilespmem:$0x18C80] =	vst v63  }
0xa1: {  	s4 =	simm.s32 $0x15480  }
0xa2: {  	[tilespmem:s4], [sflag:$0x4] =	stream.indirect_vreg.gather [hbm4b:s5+s3], $0x80, v3, vm0, $0xb8;
	[tilespmem:$0x18C80] =	vst v63  }
0xa3: {  	s4 =	simm.s32 $0x15C80  }
0xa4: {  	[tilespmem:s4], [sflag:$0x4] =	stream.indirect_vreg.gather [hbm4b:s6+s3], $0x80, v3, vm0, $0xb8;
	[tilespmem:$0x18C80] =	vst v63  }
0xa5: {  	s4 =	simm.s32 $0x16480  }
0xa6: {  	[tilespmem:s4], [sflag:$0x4] =	stream.indirect_vreg.gather [hbm4b:s8+s3], $0x80, v3, vm0, $0xb8;
	[tilespmem:$0x18C80] =	vst v63  }
0xa7: {  	v3 =	vld.msk [tilespmem:$0x58], $0xff;
	_ =	sdelay $0x4  }
0xa8: {  	v59 =	vshll.u32 v3, $0x3  }
0xa9: {  	v3 =	vand.u32 $0x7, v3;
	v4 =	vand.u32 $0xFFFFFFC0, v59  }
0xaa: {  	v3 =	vor.u32 v3, v4  }
0xab: {  	v3 =	vperm.xlane v3, v0;
	_ =	sdelay $0x1  }
0xac: {  	v3 =	vadd.s32 v1, v3;
	_ =	sdelay $0x3  }
0xad: {  	s4 =	simm.s32 $0x16C80  }
0xae: {  	[tilespmem:s4], [sflag:$0x4] =	stream.indirect_vreg.gather [hbm4b:s1+s3], $0x80, v3, vm0, $0xb8;
	[tilespmem:$0x18C80] =	vst v63  }
0xaf: {  	s4 =	simm.s32 $0x17480  }
0xb0: {  	[tilespmem:s4], [sflag:$0x4] =	stream.indirect_vreg.gather [hbm4b:s5+s3], $0x80, v3, vm0, $0xb8;
	[tilespmem:$0x18C80] =	vst v63  }
0xb1: {  	s4 =	simm.s32 $0x17C80  }
0xb2: {  	[tilespmem:s4], [sflag:$0x4] =	stream.indirect_vreg.gather [hbm4b:s6+s3], $0x80, v3, vm0, $0xb8;
	[tilespmem:$0x18C80] =	vst v63  }
0xb3: {  	s4 =	simm.s32 $0x18480  }
0xb4: {  	[tilespmem:s4], [sflag:$0x4] =	stream.indirect_vreg.gather [hbm4b:s8+s3], $0x80, v3, vm0, $0xb8;
	[tilespmem:$0x18C80] =	vst v63  }
0xb5: {  	_ =	swait.ge [sflag:s13], $0x6000  }
0xb6: {  	[sflag:s13] =	ssyncset.done $0x0  }
0xb7: {  	s4 =	rddreg [dreg:$0x6];
	[sflag:s13] =	ssyncadd.s32 $0xFFFFA000  }
0xb8: {  	[hbm4b:s4+s3] =	stream.linear.scatter [tilespmem:s0], [sflag:$0x7], $0x6000, $0x38;
	[tilespmem:$0x18C80] =	vst v63  }
0xb9: {  	_ =	swait.ge [sflag:s29], $0x6000  }
0xba: {  	[sflag:s29] =	ssyncset.done $0x0  }
0xbb: {  	[sflag:s29] =	ssyncadd.s32 $0xFFFFA000  }
0xbc: {  	v3 =	vld [tilespmem:$0x60];
	_ =	sdelay $0x4  }
0xbd: {  	v60 =	vshll.u32 v3, $0x3  }
0xbe: {  	v3 =	vand.u32 $0x7, v3;
	v4 =	vand.u32 $0xFFFFFFC0, v60  }
0xbf: {  	v3 =	vor.u32 v3, v4  }
0xc0: {  	v4 =	vperm.xlane v3, v0;
	_ =	sdelay $0x1  }
0xc1: {  	v4 =	vadd.s32 v1, v4;
	_ =	sdelay $0x3  }
0xc2: {  	s4 =	simm.s32 $0xC80  }
0xc3: {  	[tilespmem:s4], [sflag:$0x1] =	stream.indirect_vreg.gather [hbm4b:s1+s3], $0x80, v4, vm0, $0xb8;
	[tilespmem:$0x18C80] =	vst v63  }
0xc4: {  	v3 =	vperm.xlane v3, v2  }
0xc5: {  	[tilespmem:s23], [sflag:$0x1] =	stream.indirect_vreg.gather [hbm4b:s5+s3], $0x80, v4, vm0, $0xb8;
	[tilespmem:$0x18C80] =	vst v63  }
0xc6: {  	v3 =	vadd.s32 v1, v3  }
0xc7: {  	[tilespmem:s19], [sflag:$0x1] =	stream.indirect_vreg.gather [hbm4b:s6+s3], $0x80, v4, vm0, $0xb8;
	[tilespmem:$0x18C80] =	vst v63  }
0xc8: {  	_ = 	snop  }
0xc9: {  	[tilespmem:s20], [sflag:$0x1] =	stream.indirect_vreg.gather [hbm4b:s8+s3], $0x80, v4, vm0, $0xb8;
	[tilespmem:$0x18C80] =	vst v63  }
0xca: {  	_ = 	snop  }
0xcb: {  	[tilespmem:s9], [sflag:$0x1] =	stream.indirect_vreg.gather [hbm4b:s1+s3], $0x80, v3, vm0, $0xb8;
	[tilespmem:$0x18C80] =	vst v63  }
0xcc: {  	_ = 	snop  }
0xcd: {  	[tilespmem:s21], [sflag:$0x1] =	stream.indirect_vreg.gather [hbm4b:s5+s3], $0x80, v3, vm0, $0xb8;
	[tilespmem:$0x18C80] =	vst v63  }
0xce: {  	_ = 	snop  }
0xcf: {  	[tilespmem:s17], [sflag:$0x1] =	stream.indirect_vreg.gather [hbm4b:s6+s3], $0x80, v3, vm0, $0xb8;
	[tilespmem:$0x18C80] =	vst v63  }
0xd0: {  	_ = 	snop  }
0xd1: {  	[tilespmem:s24], [sflag:$0x1] =	stream.indirect_vreg.gather [hbm4b:s8+s3], $0x80, v3, vm0, $0xb8;
	[tilespmem:$0x18C80] =	vst v63  }
0xd2: {  	v3 =	vld.msk [tilespmem:$0x70], $0xff;
	_ =	sdelay $0x4  }
0xd3: {  	v61 =	vshll.u32 v3, $0x3  }
0xd4: {  	v3 =	vand.u32 $0x7, v3;
	v4 =	vand.u32 $0xFFFFFFC0, v61  }
0xd5: {  	v3 =	vor.u32 v3, v4  }
0xd6: {  	v3 =	vperm.xlane v3, v0;
	_ =	sdelay $0x1  }
0xd7: {  	v3 =	vadd.s32 v1, v3;
	_ =	sdelay $0x4  }
0xd8: {  	[tilespmem:s11], [sflag:$0x1] =	stream.indirect_vreg.gather [hbm4b:s1+s3], $0x80, v3, vm0, $0xb8;
	[tilespmem:$0x18C80] =	vst v63  }
0xd9: {  	_ = 	snop  }
0xda: {  	[tilespmem:s25], [sflag:$0x1] =	stream.indirect_vreg.gather [hbm4b:s5+s3], $0x80, v3, vm0, $0xb8;
	[tilespmem:$0x18C80] =	vst v63  }
0xdb: {  	_ = 	snop  }
0xdc: {  	[tilespmem:s12], [sflag:$0x1] =	stream.indirect_vreg.gather [hbm4b:s6+s3], $0x80, v3, vm0, $0xb8;
	[tilespmem:$0x18C80] =	vst v63  }
0xdd: {  	_ = 	snop  }
0xde: {  	[tilespmem:s26], [sflag:$0x1] =	stream.indirect_vreg.gather [hbm4b:s8+s3], $0x80, v3, vm0, $0xb8;
	[tilespmem:$0x18C80] =	vst v63  }
0xdf: {  	_ =	swait.ge [sflag:s14], $0x6000  }
0xe0: {  	[sflag:s14] =	ssyncset.done $0x0  }
0xe1: {  	s12 =	rddreg [dreg:$0x7];
	[sflag:s14] =	ssyncadd.s32 $0xFFFFA000  }
0xe2: {  	[hbm4b:s12+s3] =	stream.linear.scatter [tilespmem:s10], [sflag:$0x8], $0x6000, $0x38;
	[tilespmem:$0x18C80] =	vst v63  }
0xe3: {  	_ =	swait.ge [sflag:s31], $0x6000  }
0xe4: {  	[sflag:s31] =	ssyncset.done $0x0  }
0xe5: {  	[sflag:s31] =	ssyncadd.s32 $0xFFFFA000  }
0xe6: {  	v3 =	vld [tilespmem:$0x78];
	_ =	sdelay $0x4  }
0xe7: {  	v62 =	vshll.u32 v3, $0x3  }
0xe8: {  	v3 =	vand.u32 $0x7, v3;
	v4 =	vand.u32 $0xFFFFFFC0, v62  }
0xe9: {  	v3 =	vor.u32 v3, v4  }
0xea: {  	v4 =	vperm.xlane v3, v0;
	_ =	sdelay $0x1  }
0xeb: {  	v4 =	vadd.s32 v1, v4;
	_ =	sdelay $0x3  }
0xec: {  	s17 =	simm.s32 $0x6C80  }
0xed: {  	[tilespmem:s17], [sflag:$0x2] =	stream.indirect_vreg.gather [hbm4b:s1+s3], $0x80, v4, vm0, $0xb8;
	[tilespmem:$0x18C80] =	vst v63  }
0xee: {  	v3 =	vperm.xlane v3, v2  }
0xef: {  	[tilespmem:s18], [sflag:$0x2] =	stream.indirect_vreg.gather [hbm4b:s5+s3], $0x80, v4, vm0, $0xb8;
	[tilespmem:$0x18C80] =	vst v63  }
0xf0: {  	v3 =	vadd.s32 v1, v3  }
0xf1: {  	[tilespmem:s30], [sflag:$0x2] =	stream.indirect_vreg.gather [hbm4b:s6+s3], $0x80, v4, vm0, $0xb8;
	[tilespmem:$0x18C80] =	vst v63  }
0xf2: {  	_ = 	snop  }
0xf3: {  	[tilespmem:s28], [sflag:$0x2] =	stream.indirect_vreg.gather [hbm4b:s8+s3], $0x80, v4, vm0, $0xb8;
	[tilespmem:$0x18C80] =	vst v63  }
0xf4: {  	s19 =	simm.s32 $0x8C80  }
0xf5: {  	[tilespmem:s19], [sflag:$0x2] =	stream.indirect_vreg.gather [hbm4b:s1+s3], $0x80, v3, vm0, $0xb8;
	[tilespmem:$0x18C80] =	vst v63  }
0xf6: {  	s20 =	simm.s32 $0x9480  }
0xf7: {  	[tilespmem:s20], [sflag:$0x2] =	stream.indirect_vreg.gather [hbm4b:s5+s3], $0x80, v3, vm0, $0xb8;
	[tilespmem:$0x18C80] =	vst v63  }
0xf8: {  	s21 =	simm.s32 $0x9C80  }
0xf9: {  	[tilespmem:s21], [sflag:$0x2] =	stream.indirect_vreg.gather [hbm4b:s6+s3], $0x80, v3, vm0, $0xb8;
	[tilespmem:$0x18C80] =	vst v63  }
0xfa: {  	s23 =	simm.s32 $0xA480  }
0xfb: {  	[tilespmem:s23], [sflag:$0x2] =	stream.indirect_vreg.gather [hbm4b:s8+s3], $0x80, v3, vm0, $0xb8;
	[tilespmem:$0x18C80] =	vst v63  }
0xfc: {  	v3 =	vld.msk [tilespmem:$0x88], $0xff;
	_ =	sdelay $0x4  }
0xfd: {  	v63 =	vshll.u32 v3, $0x3  }
0xfe: {  	v3 =	vand.u32 $0x7, v3;
	v4 =	vand.u32 $0xFFFFFFC0, v63  }
0xff: {  	v3 =	vor.u32 v3, v4  }
0x100: {  	v3 =	vperm.xlane v3, v0;
	_ =	sdelay $0x1  }
0x101: {  	v3 =	vadd.s32 v1, v3;
	_ =	sdelay $0x2  }
0x102: {  	s4 =	simm.s32 $0x0;
	s9 =	simm.s32 $0x2480  }
0x103: {  	s24 =	simm.s32 $0xAC80;
	s11 =	simm.s32 $0x4480;
	s25 =	simm.s32 $0xB480  }
0x104: {  	[tilespmem:s24], [sflag:$0x2] =	stream.indirect_vreg.gather [hbm4b:s1+s3], $0x80, v3, vm0, $0xb8;
	[tilespmem:$0x18C80] =	vst v63  }
0x105: {  	s26 =	simm.s32 $0xBC80;
	s17 =	simm.s32 $0x6480;
	s30 =	simm.s32 $0xC480  }
0x106: {  	[tilespmem:s25], [sflag:$0x2] =	stream.indirect_vreg.gather [hbm4b:s5+s3], $0x80, v3, vm0, $0xb8;
	[tilespmem:$0x18C80] =	vst v63  }
0x107: {  	s28 =	simm.s32 $0x5C80;
	s19 =	simm.s32 $0xE8;
	s21 =	simm.s32 $0x1C80  }
0x108: {  	[tilespmem:s26], [sflag:$0x2] =	stream.indirect_vreg.gather [hbm4b:s6+s3], $0x80, v3, vm0, $0xb8;
	[tilespmem:$0x18C80] =	vst v63  }
0x109: {  	s24 =	simm.s32 $0x2C80;
	s25 =	simm.s32 $0x3C80;
	s26 =	simm.s32 $0x4C80  }
0x10a: {  	[tilespmem:s30], [sflag:$0x2] =	stream.indirect_vreg.gather [hbm4b:s8+s3], $0x80, v3, vm0, $0xb8;
	[tilespmem:$0x18C80] =	vst v63  }
.LBB2_2:
0x10b: {  	_ =	swait.ge [sflag:s16], $0x6000  }
0x10c: {  	s20 =	sadd.s32 s4, s7;
	[sflag:s16] =	ssyncset.done $0x0  }
0x10d: {  	s30 =	simm.s32 $0xC80;
	s23 =	sadd.s32 $0x3000, s20;
	[sflag:s16] =	ssyncadd.s32 $0xFFFFA000  }
0x10e: {  	[hbm4b:s23+s3] =	stream.linear.scatter [tilespmem:s30], [sflag:$0x5], $0x6000, $0x38;
	[tilespmem:$0x18C80] =	vst v63  }
0x10f: {  	_ =	swait.ge [sflag:s15], $0x6000  }
0x110: {  	[sflag:s15] =	ssyncset.done $0x0  }
0x111: {  	[sflag:s15] =	ssyncadd.s32 $0xFFFFA000  }
0x112: {  	v3 =	vld [tilespmem:s19+$0xFFFFFFA8];
	_ =	sdelay $0x4  }
0x113: {  	v4 =	vshll.u32 v3, $0x3  }
0x114: {  	v3 =	vand.u32 $0x7, v3;
	v4 =	vand.u32 $0xFFFFFFC0, v4  }
0x115: {  	v3 =	vor.u32 v3, v4  }
0x116: {  	v4 =	vperm.xlane v3, v0;
	_ =	sdelay $0x1  }
0x117: {  	v4 =	vadd.s32 v1, v4;
	_ =	sdelay $0x3  }
0x118: {  	s0 =	simm.s32 $0xCC80  }
0x119: {  	[tilespmem:s0], [sflag:$0x3] =	stream.indirect_vreg.gather [hbm4b:s1+s3], $0x80, v4, vm0, $0xb8;
	[tilespmem:$0x18C80] =	vst v63  }
0x11a: {  	s18 =	simm.s32 $0xD480;
	v3 =	vperm.xlane v3, v2  }
0x11b: {  	[tilespmem:s18], [sflag:$0x3] =	stream.indirect_vreg.gather [hbm4b:s5+s3], $0x80, v4, vm0, $0xb8;
	[tilespmem:$0x18C80] =	vst v63  }
0x11c: {  	s23 =	simm.s32 $0xDC80;
	v3 =	vadd.s32 v1, v3  }
0x11d: {  	[tilespmem:s23], [sflag:$0x3] =	stream.indirect_vreg.gather [hbm4b:s6+s3], $0x80, v4, vm0, $0xb8;
	[tilespmem:$0x18C80] =	vst v63  }
0x11e: {  	s12 =	simm.s32 $0xE480  }
0x11f: {  	[tilespmem:s12], [sflag:$0x3] =	stream.indirect_vreg.gather [hbm4b:s8+s3], $0x80, v4, vm0, $0xb8;
	[tilespmem:$0x18C80] =	vst v63  }
0x120: {  	s12 =	simm.s32 $0xEC80  }
0x121: {  	[tilespmem:s12], [sflag:$0x3] =	stream.indirect_vreg.gather [hbm4b:s1+s3], $0x80, v3, vm0, $0xb8;
	[tilespmem:$0x18C80] =	vst v63  }
0x122: {  	s23 =	simm.s32 $0xF480  }
0x123: {  	[tilespmem:s23], [sflag:$0x3] =	stream.indirect_vreg.gather [hbm4b:s5+s3], $0x80, v3, vm0, $0xb8;
	[tilespmem:$0x18C80] =	vst v63  }
0x124: {  	s18 =	simm.s32 $0xFC80  }
0x125: {  	[tilespmem:s18], [sflag:$0x3] =	stream.indirect_vreg.gather [hbm4b:s6+s3], $0x80, v3, vm0, $0xb8;
	[tilespmem:$0x18C80] =	vst v63  }
0x126: {  	s23 =	simm.s32 $0x10480  }
0x127: {  	[tilespmem:s23], [sflag:$0x3] =	stream.indirect_vreg.gather [hbm4b:s8+s3], $0x80, v3, vm0, $0xb8;
	[tilespmem:$0x18C80] =	vst v63  }
0x128: {  	v3 =	vld.msk [tilespmem:s19+$0xFFFFFFB8], $0xff;
	_ =	sdelay $0x4  }
0x129: {  	v57 =	vshll.u32 v3, $0x3  }
0x12a: {  	v3 =	vand.u32 $0x7, v3;
	v4 =	vand.u32 $0xFFFFFFC0, v57  }
0x12b: {  	v3 =	vor.u32 v3, v4  }
0x12c: {  	v3 =	vperm.xlane v3, v0;
	_ =	sdelay $0x1  }
0x12d: {  	v3 =	vadd.s32 v1, v3;
	_ =	sdelay $0x3  }
0x12e: {  	s18 =	simm.s32 $0x10C80  }
0x12f: {  	[tilespmem:s18], [sflag:$0x3] =	stream.indirect_vreg.gather [hbm4b:s1+s3], $0x80, v3, vm0, $0xb8;
	[tilespmem:$0x18C80] =	vst v63  }
0x130: {  	s23 =	simm.s32 $0x11480  }
0x131: {  	[tilespmem:s23], [sflag:$0x3] =	stream.indirect_vreg.gather [hbm4b:s5+s3], $0x80, v3, vm0, $0xb8;
	[tilespmem:$0x18C80] =	vst v63  }
0x132: {  	s18 =	simm.s32 $0x11C80  }
0x133: {  	[tilespmem:s18], [sflag:$0x3] =	stream.indirect_vreg.gather [hbm4b:s6+s3], $0x80, v3, vm0, $0xb8;
	[tilespmem:$0x18C80] =	vst v63  }
0x134: {  	s23 =	simm.s32 $0x12480  }
0x135: {  	[tilespmem:s23], [sflag:$0x3] =	stream.indirect_vreg.gather [hbm4b:s8+s3], $0x80, v3, vm0, $0xb8;
	[tilespmem:$0x18C80] =	vst v63  }
0x136: {  	_ =	swait.ge [sflag:s2], $0x6000  }
0x137: {  	[sflag:s2] =	ssyncset.done $0x0  }
0x138: {  	s12 =	sadd.s32 $0x3C00, s20;
	s18 =	simm.s32 $0x6C80;
	[sflag:s2] =	ssyncadd.s32 $0xFFFFA000  }
0x139: {  	[hbm4b:s12+s3] =	stream.linear.scatter [tilespmem:s18], [sflag:$0x6], $0x6000, $0x38;
	[tilespmem:$0x18C80] =	vst v63  }
0x13a: {  	_ =	swait.ge [sflag:s22], $0x6000  }
0x13b: {  	[sflag:s22] =	ssyncset.done $0x0  }
0x13c: {  	[sflag:s22] =	ssyncadd.s32 $0xFFFFA000  }
0x13d: {  	v3 =	vld [tilespmem:s19+$0xFFFFFFC0];
	_ =	sdelay $0x4  }
0x13e: {  	v58 =	vshll.u32 v3, $0x3  }
0x13f: {  	v3 =	vand.u32 $0x7, v3;
	v4 =	vand.u32 $0xFFFFFFC0, v58  }
0x140: {  	v3 =	vor.u32 v3, v4  }
0x141: {  	v4 =	vperm.xlane v3, v0;
	_ =	sdelay $0x1  }
0x142: {  	v4 =	vadd.s32 v1, v4;
	_ =	sdelay $0x4  }
0x143: {  	[tilespmem:s10], [sflag:$0x4] =	stream.indirect_vreg.gather [hbm4b:s1+s3], $0x80, v4, vm0, $0xb8;
	[tilespmem:$0x18C80] =	vst v63  }
0x144: {  	s23 =	simm.s32 $0x13480;
	v3 =	vperm.xlane v3, v2  }
0x145: {  	[tilespmem:s23], [sflag:$0x4] =	stream.indirect_vreg.gather [hbm4b:s5+s3], $0x80, v4, vm0, $0xb8;
	[tilespmem:$0x18C80] =	vst v63  }
0x146: {  	v3 =	vadd.s32 v1, v3;
	s23 =	simm.s32 $0x13C80  }
0x147: {  	[tilespmem:s23], [sflag:$0x4] =	stream.indirect_vreg.gather [hbm4b:s6+s3], $0x80, v4, vm0, $0xb8;
	[tilespmem:$0x18C80] =	vst v63  }
0x148: {  	s23 =	simm.s32 $0x14480  }
0x149: {  	[tilespmem:s23], [sflag:$0x4] =	stream.indirect_vreg.gather [hbm4b:s8+s3], $0x80, v4, vm0, $0xb8;
	[tilespmem:$0x18C80] =	vst v63  }
0x14a: {  	s23 =	simm.s32 $0x14C80  }
0x14b: {  	[tilespmem:s23], [sflag:$0x4] =	stream.indirect_vreg.gather [hbm4b:s1+s3], $0x80, v3, vm0, $0xb8;
	[tilespmem:$0x18C80] =	vst v63  }
0x14c: {  	s23 =	simm.s32 $0x15480  }
0x14d: {  	[tilespmem:s23], [sflag:$0x4] =	stream.indirect_vreg.gather [hbm4b:s5+s3], $0x80, v3, vm0, $0xb8;
	[tilespmem:$0x18C80] =	vst v63  }
0x14e: {  	s23 =	simm.s32 $0x15C80  }
0x14f: {  	[tilespmem:s23], [sflag:$0x4] =	stream.indirect_vreg.gather [hbm4b:s6+s3], $0x80, v3, vm0, $0xb8;
	[tilespmem:$0x18C80] =	vst v63  }
0x150: {  	s23 =	simm.s32 $0x16480  }
0x151: {  	[tilespmem:s23], [sflag:$0x4] =	stream.indirect_vreg.gather [hbm4b:s8+s3], $0x80, v3, vm0, $0xb8;
	[tilespmem:$0x18C80] =	vst v63  }
0x152: {  	v3 =	vld.msk [tilespmem:s19+$0xFFFFFFD0], $0xff;
	_ =	sdelay $0x4  }
0x153: {  	v59 =	vshll.u32 v3, $0x3  }
0x154: {  	v3 =	vand.u32 $0x7, v3;
	v4 =	vand.u32 $0xFFFFFFC0, v59  }
0x155: {  	v3 =	vor.u32 v3, v4  }
0x156: {  	v3 =	vperm.xlane v3, v0;
	_ =	sdelay $0x1  }
0x157: {  	v3 =	vadd.s32 v1, v3;
	_ =	sdelay $0x3  }
0x158: {  	s23 =	simm.s32 $0x16C80  }
0x159: {  	[tilespmem:s23], [sflag:$0x4] =	stream.indirect_vreg.gather [hbm4b:s1+s3], $0x80, v3, vm0, $0xb8;
	[tilespmem:$0x18C80] =	vst v63  }
0x15a: {  	s23 =	simm.s32 $0x17480  }
0x15b: {  	[tilespmem:s23], [sflag:$0x4] =	stream.indirect_vreg.gather [hbm4b:s5+s3], $0x80, v3, vm0, $0xb8;
	[tilespmem:$0x18C80] =	vst v63  }
0x15c: {  	s23 =	simm.s32 $0x17C80  }
0x15d: {  	[tilespmem:s23], [sflag:$0x4] =	stream.indirect_vreg.gather [hbm4b:s6+s3], $0x80, v3, vm0, $0xb8;
	[tilespmem:$0x18C80] =	vst v63  }
0x15e: {  	s23 =	simm.s32 $0x18480  }
0x15f: {  	[tilespmem:s23], [sflag:$0x4] =	stream.indirect_vreg.gather [hbm4b:s8+s3], $0x80, v3, vm0, $0xb8;
	[tilespmem:$0x18C80] =	vst v63  }
0x160: {  	_ =	swait.ge [sflag:s13], $0x6000  }
0x161: {  	[sflag:s13] =	ssyncset.done $0x0  }
0x162: {  	s12 =	sadd.s32 $0x4800, s20;
	[sflag:s13] =	ssyncadd.s32 $0xFFFFA000  }
0x163: {  	[hbm4b:s12+s3] =	stream.linear.scatter [tilespmem:s0], [sflag:$0x7], $0x6000, $0x38;
	[tilespmem:$0x18C80] =	vst v63  }
0x164: {  	_ =	swait.ge [sflag:s29], $0x6000  }
0x165: {  	[sflag:s29] =	ssyncset.done $0x0  }
0x166: {  	[sflag:s29] =	ssyncadd.s32 $0xFFFFA000  }
0x167: {  	v3 =	vld [tilespmem:s19+$0xFFFFFFD8];
	_ =	sdelay $0x4  }
0x168: {  	v60 =	vshll.u32 v3, $0x3  }
0x169: {  	v3 =	vand.u32 $0x7, v3;
	v4 =	vand.u32 $0xFFFFFFC0, v60  }
0x16a: {  	v3 =	vor.u32 v3, v4  }
0x16b: {  	v4 =	vperm.xlane v3, v0;
	_ =	sdelay $0x1  }
0x16c: {  	v4 =	vadd.s32 v1, v4;
	_ =	sdelay $0x4  }
0x16d: {  	[tilespmem:s30], [sflag:$0x1] =	stream.indirect_vreg.gather [hbm4b:s1+s3], $0x80, v4, vm0, $0xb8;
	[tilespmem:$0x18C80] =	vst v63  }
0x16e: {  	s23 =	simm.s32 $0x1480;
	v3 =	vperm.xlane v3, v2  }
0x16f: {  	[tilespmem:s23], [sflag:$0x1] =	stream.indirect_vreg.gather [hbm4b:s5+s3], $0x80, v4, vm0, $0xb8;
	[tilespmem:$0x18C80] =	vst v63  }
0x170: {  	v3 =	vadd.s32 v1, v3  }
0x171: {  	[tilespmem:s21], [sflag:$0x1] =	stream.indirect_vreg.gather [hbm4b:s6+s3], $0x80, v4, vm0, $0xb8;
	[tilespmem:$0x18C80] =	vst v63  }
0x172: {  	_ = 	snop  }
0x173: {  	[tilespmem:s9], [sflag:$0x1] =	stream.indirect_vreg.gather [hbm4b:s8+s3], $0x80, v4, vm0, $0xb8;
	[tilespmem:$0x18C80] =	vst v63  }
0x174: {  	_ = 	snop  }
0x175: {  	[tilespmem:s24], [sflag:$0x1] =	stream.indirect_vreg.gather [hbm4b:s1+s3], $0x80, v3, vm0, $0xb8;
	[tilespmem:$0x18C80] =	vst v63  }
0x176: {  	s12 =	simm.s32 $0x3480  }
0x177: {  	[tilespmem:s12], [sflag:$0x1] =	stream.indirect_vreg.gather [hbm4b:s5+s3], $0x80, v3, vm0, $0xb8;
	[tilespmem:$0x18C80] =	vst v63  }
0x178: {  	_ = 	snop  }
0x179: {  	[tilespmem:s25], [sflag:$0x1] =	stream.indirect_vreg.gather [hbm4b:s6+s3], $0x80, v3, vm0, $0xb8;
	[tilespmem:$0x18C80] =	vst v63  }
0x17a: {  	_ = 	snop  }
0x17b: {  	[tilespmem:s11], [sflag:$0x1] =	stream.indirect_vreg.gather [hbm4b:s8+s3], $0x80, v3, vm0, $0xb8;
	[tilespmem:$0x18C80] =	vst v63  }
0x17c: {  	v3 =	vld.msk [tilespmem:s19+$0xFFFFFFE8], $0xff;
	_ =	sdelay $0x4  }
0x17d: {  	v61 =	vshll.u32 v3, $0x3  }
0x17e: {  	v3 =	vand.u32 $0x7, v3;
	v4 =	vand.u32 $0xFFFFFFC0, v61  }
0x17f: {  	v3 =	vor.u32 v3, v4  }
0x180: {  	v3 =	vperm.xlane v3, v0;
	_ =	sdelay $0x1  }
0x181: {  	v3 =	vadd.s32 v1, v3;
	_ =	sdelay $0x4  }
0x182: {  	[tilespmem:s26], [sflag:$0x1] =	stream.indirect_vreg.gather [hbm4b:s1+s3], $0x80, v3, vm0, $0xb8;
	[tilespmem:$0x18C80] =	vst v63  }
0x183: {  	s12 =	simm.s32 $0x5480  }
0x184: {  	[tilespmem:s12], [sflag:$0x1] =	stream.indirect_vreg.gather [hbm4b:s5+s3], $0x80, v3, vm0, $0xb8;
	[tilespmem:$0x18C80] =	vst v63  }
0x185: {  	_ = 	snop  }
0x186: {  	[tilespmem:s28], [sflag:$0x1] =	stream.indirect_vreg.gather [hbm4b:s6+s3], $0x80, v3, vm0, $0xb8;
	[tilespmem:$0x18C80] =	vst v63  }
0x187: {  	_ = 	snop  }
0x188: {  	[tilespmem:s17], [sflag:$0x1] =	stream.indirect_vreg.gather [hbm4b:s8+s3], $0x80, v3, vm0, $0xb8;
	[tilespmem:$0x18C80] =	vst v63  }
0x189: {  	_ =	swait.ge [sflag:s14], $0x6000  }
0x18a: {  	[sflag:s14] =	ssyncset.done $0x0  }
0x18b: {  	s20 =	sadd.s32 $0x5400, s20;
	[sflag:s14] =	ssyncadd.s32 $0xFFFFA000  }
0x18c: {  	[hbm4b:s20+s3] =	stream.linear.scatter [tilespmem:s10], [sflag:$0x8], $0x6000, $0x38;
	[tilespmem:$0x18C80] =	vst v63  }
0x18d: {  	_ =	swait.ge [sflag:s31], $0x6000  }
0x18e: {  	[sflag:s31] =	ssyncset.done $0x0  }
0x18f: {  	[sflag:s31] =	ssyncadd.s32 $0xFFFFA000  }
0x190: {  	v3 =	vld [tilespmem:s19+$0xFFFFFFF0];
	_ =	sdelay $0x4  }
0x191: {  	v62 =	vshll.u32 v3, $0x3  }
0x192: {  	v3 =	vand.u32 $0x7, v3;
	v4 =	vand.u32 $0xFFFFFFC0, v62  }
0x193: {  	v3 =	vor.u32 v3, v4  }
0x194: {  	v4 =	vperm.xlane v3, v0;
	_ =	sdelay $0x1  }
0x195: {  	v4 =	vadd.s32 v1, v4;
	_ =	sdelay $0x4  }
0x196: {  	[tilespmem:s18], [sflag:$0x2] =	stream.indirect_vreg.gather [hbm4b:s1+s3], $0x80, v4, vm0, $0xb8;
	[tilespmem:$0x18C80] =	vst v63  }
0x197: {  	v3 =	vperm.xlane v3, v2;
	s18 =	simm.s32 $0x7480  }
0x198: {  	[tilespmem:s18], [sflag:$0x2] =	stream.indirect_vreg.gather [hbm4b:s5+s3], $0x80, v4, vm0, $0xb8;
	[tilespmem:$0x18C80] =	vst v63  }
0x199: {  	s30 =	simm.s32 $0x7C80;
	v3 =	vadd.s32 v1, v3  }
0x19a: {  	[tilespmem:s30], [sflag:$0x2] =	stream.indirect_vreg.gather [hbm4b:s6+s3], $0x80, v4, vm0, $0xb8;
	[tilespmem:$0x18C80] =	vst v63  }
0x19b: {  	s12 =	simm.s32 $0x8480  }
0x19c: {  	[tilespmem:s12], [sflag:$0x2] =	stream.indirect_vreg.gather [hbm4b:s8+s3], $0x80, v4, vm0, $0xb8;
	[tilespmem:$0x18C80] =	vst v63  }
0x19d: {  	s12 =	simm.s32 $0x8C80  }
0x19e: {  	[tilespmem:s12], [sflag:$0x2] =	stream.indirect_vreg.gather [hbm4b:s1+s3], $0x80, v3, vm0, $0xb8;
	[tilespmem:$0x18C80] =	vst v63  }
0x19f: {  	s12 =	simm.s32 $0x9480  }
0x1a0: {  	[tilespmem:s12], [sflag:$0x2] =	stream.indirect_vreg.gather [hbm4b:s5+s3], $0x80, v3, vm0, $0xb8;
	[tilespmem:$0x18C80] =	vst v63  }
0x1a1: {  	s12 =	simm.s32 $0x9C80  }
0x1a2: {  	[tilespmem:s12], [sflag:$0x2] =	stream.indirect_vreg.gather [hbm4b:s6+s3], $0x80, v3, vm0, $0xb8;
	[tilespmem:$0x18C80] =	vst v63  }
0x1a3: {  	s12 =	simm.s32 $0xA480  }
0x1a4: {  	[tilespmem:s12], [sflag:$0x2] =	stream.indirect_vreg.gather [hbm4b:s8+s3], $0x80, v3, vm0, $0xb8;
	[tilespmem:$0x18C80] =	vst v63  }
0x1a5: {  	v3 =	vld.msk [tilespmem:s19+$0x0], $0xff;
	_ =	sdelay $0x4  }
0x1a6: {  	v63 =	vshll.u32 v3, $0x3  }
0x1a7: {  	v3 =	vand.u32 $0x7, v3;
	v4 =	vand.u32 $0xFFFFFFC0, v63  }
0x1a8: {  	v3 =	vor.u32 v3, v4  }
0x1a9: {  	v3 =	vperm.xlane v3, v0;
	_ =	sdelay $0x1  }
0x1aa: {  	v3 =	vadd.s32 v1, v3;
	_ =	sdelay $0x3  }
0x1ab: {  	s12 =	simm.s32 $0xAC80  }
0x1ac: {  	[tilespmem:s12], [sflag:$0x2] =	stream.indirect_vreg.gather [hbm4b:s1+s3], $0x80, v3, vm0, $0xb8;
	[tilespmem:$0x18C80] =	vst v63  }
0x1ad: {  	p0 =	sne.s32 s4, $0x5A000;
	s12 =	simm.s32 $0xB480  }
0x1ae: {  	[tilespmem:s12], [sflag:$0x2] =	stream.indirect_vreg.gather [hbm4b:s5+s3], $0x80, v3, vm0, $0xb8;
	[tilespmem:$0x18C80] =	vst v63  }
.Ltmp0:
0x1af: {  	_ = 	snop;
	(pc) =	sbr.rel @p0 .LBB2_2-.Ltmp0, $4  }
0x1b0: {  	s4 =	sadd.s32 $0x3000, s4;
	s0 =	simm.s32 $0xC80;
	s12 =	simm.s32 $0xBC80  }
0x1b1: {  	[tilespmem:s12], [sflag:$0x2] =	stream.indirect_vreg.gather [hbm4b:s6+s3], $0x80, v3, vm0, $0xb8;
	[tilespmem:$0x18C80] =	vst v63  }
0x1b2: {  	s20 =	simm.s32 $0x6C80;
	s19 =	sadd.s32 $0x60, s19;
	s12 =	simm.s32 $0xC480  }
0x1b3: {  	[tilespmem:s12], [sflag:$0x2] =	stream.indirect_vreg.gather [hbm4b:s8+s3], $0x80, v3, vm0, $0xb8;
	[tilespmem:$0x18C80] =	vst v63  }
0x1b4: {  	_ =	swait.ge [sflag:s16], $0x6000  }
0x1b5: {  	[sflag:s16] =	ssyncset.done $0x0  }
0x1b6: {  	s4 =	rddreg [dreg:$0x8];
	[sflag:s16] =	ssyncadd.s32 $0xFFFFA000  }
0x1b7: {  	[hbm4b:s4+s3] =	stream.linear.scatter [tilespmem:s0], [sflag:$0x5], $0x6000, $0x38;
	[tilespmem:$0x18C80] =	vst v63  }
0x1b8: {  	_ =	swait.ge [sflag:s15], $0x6000  }
0x1b9: {  	[sflag:s15] =	ssyncset.done $0x0  }
0x1ba: {  	[sflag:s15] =	ssyncadd.s32 $0xFFFFA000  }
0x1bb: {  	v3 =	vld.msk [tilespmem:$0xC30], $0xff;
	_ =	sdelay $0x4  }
0x1bc: {  	v4 =	vshll.u32 v3, $0x3  }
0x1bd: {  	v3 =	vand.u32 $0x7, v3;
	v4 =	vand.u32 $0xFFFFFFC0, v4  }
0x1be: {  	v3 =	vor.u32 v3, v4  }
0x1bf: {  	v3 =	vperm.xlane v3, v0;
	_ =	sdelay $0x1  }
0x1c0: {  	v3 =	vadd.s32 v1, v3;
	_ =	sdelay $0x3  }
0x1c1: {  	s11 =	simm.s32 $0xCC80  }
0x1c2: {  	[tilespmem:s11], [sflag:$0x3] =	stream.indirect_vreg.gather [hbm4b:s1+s3], $0x80, v3, vm0, $0xb8;
	[tilespmem:$0x18C80] =	vst v63  }
0x1c3: {  	s12 =	simm.s32 $0xD480  }
0x1c4: {  	[tilespmem:s12], [sflag:$0x3] =	stream.indirect_vreg.gather [hbm4b:s5+s3], $0x80, v3, vm0, $0xb8;
	[tilespmem:$0x18C80] =	vst v63  }
0x1c5: {  	s17 =	simm.s32 $0xDC80  }
0x1c6: {  	[tilespmem:s17], [sflag:$0x3] =	stream.indirect_vreg.gather [hbm4b:s6+s3], $0x80, v3, vm0, $0xb8;
	[tilespmem:$0x18C80] =	vst v63  }
0x1c7: {  	s19 =	simm.s32 $0xE480  }
0x1c8: {  	[tilespmem:s19], [sflag:$0x3] =	stream.indirect_vreg.gather [hbm4b:s8+s3], $0x80, v3, vm0, $0xb8;
	[tilespmem:$0x18C80] =	vst v63  }
0x1c9: {  	_ =	swait.ge [sflag:s2], $0x6000  }
0x1ca: {  	[sflag:s2] =	ssyncset.done $0x0  }
0x1cb: {  	s21 =	rddreg [dreg:$0x9];
	[sflag:s2] =	ssyncadd.s32 $0xFFFFA000  }
0x1cc: {  	[hbm4b:s21+s3] =	stream.linear.scatter [tilespmem:s20], [sflag:$0x6], $0x6000, $0x38;
	[tilespmem:$0x18C80] =	vst v63  }
0x1cd: {  	_ =	swait.ge [sflag:s13], $0x2000  }
0x1ce: {  	[sflag:s13] =	ssyncset.done $0x0  }
0x1cf: {  	s24 =	rddreg [dreg:$0xa];
	[sflag:s13] =	ssyncadd.s32 $0xFFFFE000  }
0x1d0: {  	[hbm4b:s24+s3] =	stream.linear.scatter [tilespmem:s11], [sflag:$0x7], $0x2000, $0x38;
	[tilespmem:$0x18C80] =	vst v63  }
0x1d1: {  	_ =	swait.ge [sflag:s22], $0x6000  }
0x1d2: {  	[sflag:s22] =	ssyncset.done $0x0  }
0x1d3: {  	[sflag:s22] =	ssyncadd.s32 $0xFFFFA000  }
0x1d4: {  	_ =	swait.ge [sflag:s29], $0x6000  }
0x1d5: {  	[sflag:s29] =	ssyncset.done $0x0  }
0x1d6: {  	[sflag:s29] =	ssyncadd.s32 $0xFFFFA000  }
0x1d7: {  	_ =	swait.ge [sflag:s31], $0x6000  }
0x1d8: {  	[sflag:s31] =	ssyncset.done $0x0  }
0x1d9: {  	[sflag:s31] =	ssyncadd.s32 $0xFFFFA000  }
0x1da: {  	_ =	swait.ge [sflag:s15], $0x2000  }
0x1db: {  	s25 =	rddreg [dreg:$0xc]  }
0x1dc: {  	s26 =	rddreg [dreg:$0xb];
	s0 =	sadd.s32 $0x1, s25  }
0x1dd: {  	s9 =	simm.s32 $0x2C80;
	s28 =	simm.s32 $0x8480;
	p0 =	sne.s32 s0, s26  }
.Ltmp1:
0x1de: {  	s10 =	simm.s32 $0x12480;
	s12 =	simm.s32 $0x5C80;
	(pc) =	sbr.rel @p0 .LBB2_1-.Ltmp1, $4  }
0x1df: {  	s17 =	simm.s32 $0x3C80;
	s19 =	simm.s32 $0x1C80;
	s20 =	simm.s32 $0x2480  }
0x1e0: {  	s21 =	simm.s32 $0x3480;
	s24 =	simm.s32 $0x4480;
	[sflag:s15] =	ssyncset.done $0x0  }
0x1e1: {  	s11 =	simm.s32 $0x4C80;
	[sflag:s15] =	ssyncadd.s32 $0xFFFFE000;
	s25 =	simm.s32 $0x5480  }
0x1e2: {  	[dreg:$0xc] =	wrdreg s0;
	s26 =	simm.s32 $0x6480;
	s0 =	simm.s32 $0xC480  }
0x1e3: {  	_ =	sfence.sel $0x180000  }
0x1e4: {  	[bflag:$0x0] =	sbarrier.arrive $0xFFFF  }
0x1e5: {  	_ =	strace $0x90000047  }
0x1e6: {  	s0 =	stileid.u32;
	[bflag:$0x2] =	sbarrier.arrive $0xFFFF  }
0x1e7: {  	p0 =	sne.s32 s0, $0x0;
	s0 =	rddreg [dreg:$0x3]  }
0x1e8: {  	s0 =	sadd.s32 @!p0 $0x100000, s0  }
0x1e9: {  	[sflag:s0] =	ssyncadd.tile.s32 @!p0 $0x1;
	_ =	shalt  }
.Lfunc_end2:
_tile_overlayer_lowered:
.L_overlay_start_2:
0x1ea: {  	(tag) =	ssettag $0x2  }
0x1eb: {  	s0 =	rddreg [dreg:$0x0];
	s2 =	stileid.u32  }
0x1ec: {  	s1 =	rddreg [dreg:$0x1];
	p0 =	sne.s32 s2, $0x0  }
0x1ed: {  	s3 =	rddreg [dreg:$0x2];
	[bflag:$0x3] =	sbarrier.arrive $0xFFFF;
	s2 =	simm.s32 @!p0 $0x1C09  }
0x1ee: {  	[timem:s3], [sflag:s2] =	dma.local @!p0 [hbm:s0], s1  }
0x1ef: {  	s0 =	simm.s32 @!p0 $0x9  }
0x1f0: {  	_ =	swait.ge @!p0 [sflag:s0], s1  }
0x1f1: {  	s1 =	ssub.s32 @!p0 $0x0, s1;
	[sflag:s0] =	ssyncset.done @!p0 $0x0  }
0x1f2: {  	[sflag:s0] =	ssyncadd.s32 @!p0 s1  }
0x1f3: {  	[bflag:$0x3] =	sbarrier.arrive $0xFFFF  }
0x1f4: {  	_ =	shalt  }

</sc_bundles>
